<compile_context>
chip_gen: v7x
topology: tpu7x:2x2x1
jax: 0.10.2.dev20260603
libtpu: 0.0.44.dev20260713+nightly
codegen_flags: <defaults>
</compile_context>

<pallas_src>
import jax
import jax.numpy as jnp
from jax import lax
from jax.experimental import pallas as pl
from jax.experimental.pallas import tpu as pltpu
from jax.experimental.pallas import tpu_sc as plsc

N_FIELDS = 26
VOCAB = 100000
EMB = 16
HIDDEN = [256, 128, 64]
BATCH = 16384

_D_IN = N_FIELDS * EMB
_ROWS = BATCH * N_FIELDS

_NC = 2
_NS = 16
_NW = _NC * _NS
_RPW = _ROWS // _NW
_CH = 1664
_NCHUNK = _RPW // _CH


def _sc_gather_body(tab_hbm, feat_hbm, out_hbm, feat_v, idx_a, idx_b,
                    rows_a, rows_b, sem_a, sem_b):
    wid = lax.axis_index("s") * _NC + lax.axis_index("c")
    base = wid * _RPW
    pltpu.sync_copy(feat_hbm.at[pl.ds(base, _RPW)], feat_v)
    lane = lax.iota(jnp.int32, 16)

    idxs = (idx_a, idx_b)
    bufs = (rows_a, rows_b)
    sems = (sem_a, sem_b)
    cps = []
    for c in range(_NCHUNK + 1):
        if c < _NCHUNK:
            idx_v = idxs[c % 2]

            def idx_body(i, _, c=c, idx_v=idx_v):
                pos = base + c * _CH + i * 16 + lane
                field = lax.rem(pos, N_FIELDS)
                idx_v[pl.ds(i * 16, 16)] = (
                    feat_v[pl.ds(c * _CH + i * 16, 16)] + field * VOCAB)
                return 0

            lax.fori_loop(0, _CH // 16, idx_body, 0)
            cps.append(
                pltpu.async_copy(tab_hbm.at[idx_v], bufs[c % 2], sems[c % 2]))
        if c > 0:
            cps[c - 1].wait()
            pltpu.sync_copy(bufs[(c - 1) % 2],
                            out_hbm.at[pl.ds(base + (c - 1) * _CH, _CH)])


def _sc_gather(tab_flat, feat_flat):
    mesh = plsc.VectorSubcoreMesh(
        core_axis_name="c", subcore_axis_name="s", num_cores=_NC)
    return pl.kernel(
        _sc_gather_body,
        out_type=jax.ShapeDtypeStruct((_ROWS, EMB), jnp.float32),
        mesh=mesh,
        scratch_types=[
            pltpu.VMEM((_RPW,), jnp.int32),
            pltpu.VMEM((_CH,), jnp.int32),
            pltpu.VMEM((_CH,), jnp.int32),
            pltpu.VMEM((_CH, EMB), jnp.float32),
            pltpu.VMEM((_CH, EMB), jnp.float32),
            pltpu.SemaphoreType.DMA,
            pltpu.SemaphoreType.DMA,
        ],
        compiler_params=pltpu.CompilerParams(use_tc_tiling_on_sc=False),
    )(tab_flat, feat_flat)


_BB = 1024


def _dense_body(x_ref, w1_ref, b1_ref, w2_ref, b2_ref, w3_ref, b3_ref,
                wfm_ref, wh_ref, c0_ref, out_ref):
    x = x_ref[...]
    h = jnp.maximum(
        jnp.dot(x, w1_ref[...], preferred_element_type=jnp.float32)
        + b1_ref[...], 0.0)
    h = jnp.maximum(
        jnp.dot(h, w2_ref[...], preferred_element_type=jnp.float32)
        + b2_ref[...], 0.0)
    h = jnp.maximum(
        jnp.dot(h, w3_ref[...], preferred_element_type=jnp.float32)
        + b3_ref[...], 0.0)
    fm = jnp.sum(x * wfm_ref[...], axis=1, keepdims=True)
    hs = jnp.sum(h * wh_ref[...], axis=1, keepdims=True)
    out_ref[...] = fm + hs + c0_ref[...]


def _dense(x, W1, b1, W2, b2, W3, b3, wfm, wh, c0):
    nblk = BATCH // _BB
    full = lambda a: pl.BlockSpec(a.shape, lambda i: (0,) * a.ndim)
    return pl.pallas_call(
        _dense_body,
        grid=(nblk,),
        in_specs=[
            pl.BlockSpec((_BB, _D_IN), lambda i: (i, 0)),
            full(W1), full(b1), full(W2), full(b2), full(W3), full(b3),
            full(wfm), full(wh), full(c0),
        ],
        out_specs=pl.BlockSpec((_BB, 1), lambda i: (i, 0)),
        out_shape=jax.ShapeDtypeStruct((BATCH, 1), jnp.float32),
    )(x, W1, b1, W2, b2, W3, b3, wfm, wh, c0)


def kernel(features, tables, fm_W, fm_b, W1, b1, W2, b2, W3, b3, out_W, out_b):
    feat_flat = features.astype(jnp.int32).reshape(-1)
    tab_flat = tables.reshape(N_FIELDS * VOCAB, EMB)
    x = _sc_gather(tab_flat, feat_flat).reshape(BATCH, _D_IN)

    a0 = out_W[0, 0]
    wfm = (fm_W[:, 0] * a0).reshape(1, _D_IN)
    wh = out_W[1:, 0].reshape(1, HIDDEN[2])
    c0 = (fm_b[0] * a0 + out_b[0]).reshape(1, 1)
    out = _dense(x, W1, b1.reshape(1, -1), W2, b2.reshape(1, -1),
                 W3, b3.reshape(1, -1), wfm, wh, c0)
    return out[:, 0]

# --- scband reference (transcript-rebuilt; emitter-appended) ---
"""Pipeline reference for scband-deep-fm-4844723110490 (READ-ONLY COPY).

The authoritative reference and input builder live on the scoring server;
editing this copy changes nothing except your own understanding.
"""

import jax, jax.numpy as jnp
import numpy as np

N_FIELDS = 26
VOCAB = 100000
EMB = 16
HIDDEN = [256, 128, 64]
BATCH = 16384

def setup_inputs(seed: int = 0) -> dict:
    key = jax.random.key(seed)
    ks = jax.random.split(key, 16)
    features = jax.random.randint(ks[0], (BATCH, N_FIELDS), 0, VOCAB, dtype=jnp.int64 if jax.config.jax_enable_x64 else jnp.int32)
    # stacked embedding tables [n_fields, vocab, emb], xavier-uniform-ish init
    limit = np.sqrt(6.0 / (VOCAB + EMB))
    tables = jax.random.uniform(ks[1], (N_FIELDS, VOCAB, EMB), minval=-limit, maxval=limit, dtype=jnp.float32)
    d_in = N_FIELDS * EMB
    def lin_init(k, fan_in, fan_out):
        lim = 1.0 / np.sqrt(fan_in)
        kw, kb = jax.random.split(k)
        W = jax.random.uniform(kw, (fan_in, fan_out), minval=-lim, maxval=lim, dtype=jnp.float32)
        b = jax.random.uniform(kb, (fan_out,), minval=-lim, maxval=lim, dtype=jnp.float32)
        return W, b
    fm_W, fm_b = lin_init(ks[2], d_in, 1)
    W1, b1 = lin_init(ks[3], d_in, HIDDEN[0])
    W2, b2 = lin_init(ks[4], HIDDEN[0], HIDDEN[1])
    W3, b3 = lin_init(ks[5], HIDDEN[1], HIDDEN[2])
    out_W, out_b = lin_init(ks[6], HIDDEN[2] + 1, 1)
    return {"features": features, "tables": tables, "fm_W": fm_W, "fm_b": fm_b,
            "W1": W1, "b1": b1, "W2": W2, "b2": b2, "W3": W3, "b3": b3,
            "out_W": out_W, "out_b": out_b}

def reference(features, tables, fm_W, fm_b, W1, b1, W2, b2, W3, b3, out_W, out_b):
    # per-field embedding lookup (gather), then concat -> [B, n_fields*emb]
    embs = [jnp.take(tables[i], features[:, i], axis=0) for i in range(N_FIELDS)]
    x = jnp.concatenate(embs, axis=1)
    fm_out = x @ fm_W + fm_b                      # [B, 1]
    h = jax.nn.relu(x @ W1 + b1)                  # dropout is identity in eval mode
    h = jax.nn.relu(h @ W2 + b2)
    h = jax.nn.relu(h @ W3 + b3)
    logits = (jnp.concatenate([fm_out, h], axis=1) @ out_W + out_b)[:, 0]
    return logits

if __name__ == "__main__":
    import jax
    _d = setup_inputs()
    print(jax.jit(kernel)(*tuple(_d.values())))

</pallas_src>

<mosaic_0001>
#map = affine_map<(d0, d1) -> (0, 0)>
#map1 = affine_map<(d0, d1) -> (0)>
module attributes {stable_mosaic.version = 14 : i64} {
  func.func @_sc_gather_body(%arg0: i32, %arg1: i32, %arg2: memref<2600000x16xf32, #tpu.memory_space<hbm>>, %arg3: memref<425984xi32, #tpu.memory_space<hbm>>, %arg4: memref<425984x16xf32, #tpu.memory_space<hbm>>, %arg5: memref<13312xi32, #tpu.memory_space<vmem>>, %arg6: memref<1664xi32, #tpu.memory_space<vmem>>, %arg7: memref<1664xi32, #tpu.memory_space<vmem>>, %arg8: memref<1664x16xf32, #tpu.memory_space<vmem>>, %arg9: memref<1664x16xf32, #tpu.memory_space<vmem>>, %arg10: memref<!tpu.dma_semaphore, #tpu.memory_space<semaphore_mem>>, %arg11: memref<!tpu.dma_semaphore, #tpu.memory_space<semaphore_mem>>) attributes {dimension_semantics = [#tpu.dimension_semantics<core_parallel>, #tpu.dimension_semantics<subcore_parallel>], iteration_bounds = array<i64: 2, 16>, scalar_prefetch = 0 : i64, scratch_operands = 7 : i64, tpu.core_type = #tpu.core_type<sc_vector_subcore>, window_params = [{transform_indices = #map}, {transform_indices = #map1}, {transform_indices = #map}]} {
    %mul3A = arith.constant 2 : i32
    %mul3A_0 = arith.muli %arg1, %mul3A : i32
    %add3A = arith.addi %mul3A_0, %arg0 : i32
    %mul3A_1 = arith.constant 13312 : i32
    %mul3A_2 = arith.muli %add3A, %mul3A_1 : i32
    "tpu.region"() ({
      %run_scoped3A = tpu.sem_alloc : memref<!tpu.dma_semaphore, #tpu.memory_space<semaphore_mem>>
      %dma_start3A_120 = tpu.memref_slice %arg3[%mul3A_2] : memref<425984xi32, #tpu.memory_space<hbm>> -> memref<13312xi32, #tpu.memory_space<hbm>>
      %dma_start3A_121 = tpu.memref_slice %arg3[%mul3A_2] : memref<425984xi32, #tpu.memory_space<hbm>> -> memref<13312xi32, #tpu.memory_space<hbm>>
      tpu.enqueue_dma source(%dma_start3A_121 : memref<13312xi32, #tpu.memory_space<hbm>>) target(%arg5 : memref<13312xi32, #tpu.memory_space<vmem>>) target_semaphore(%run_scoped3A : memref<!tpu.dma_semaphore, #tpu.memory_space<semaphore_mem>>)
      %dma_wait3A_122 = tpu.memref_slice %arg3[%mul3A_2] : memref<425984xi32, #tpu.memory_space<hbm>> -> memref<13312xi32, #tpu.memory_space<hbm>>
      %dma_wait3A_123 = tpu.memref_slice %arg3[%mul3A_2] : memref<425984xi32, #tpu.memory_space<hbm>> -> memref<13312xi32, #tpu.memory_space<hbm>>
      tpu.wait_dma2 semaphore(%run_scoped3A : memref<!tpu.dma_semaphore, #tpu.memory_space<semaphore_mem>>) src(%dma_wait3A_123 : memref<13312xi32, #tpu.memory_space<hbm>>) dst(%arg5 : memref<13312xi32, #tpu.memory_space<vmem>>)
      tpu.yield
    }) : () -> ()
    %iota3A = tpu.iota {dimensions = array<i32: 0>} : vector<16xi32>
    %scan3A = arith.constant 0 : i32
    %scan3A_3 = arith.constant 0 : i32
    %scan3A_4 = arith.constant 104 : i32
    %scan3A_5 = arith.addi %scan3A_3, %scan3A_4 : i32
    %scan3A_6 = arith.constant 1 : i32
    %scan3A_7 = scf.for %scan3A_120 = %scan3A_3 to %scan3A_5 step %scan3A_6 iter_args(%scan3A_121 = %scan3A) -> (i32)  : i32 {
      %add3A_122 = arith.constant 0 : i32
      %add3A_123 = arith.addi %mul3A_2, %add3A_122 : i32
      %mul3A_124 = arith.constant 16 : i32
      %mul3A_125 = arith.muli %scan3A_120, %mul3A_124 : i32
      %add3A_126 = arith.addi %add3A_123, %mul3A_125 : i32
      %add3A_127 = vector.broadcast %add3A_126 : i32 to vector<16xi32>
      %add3A_128 = arith.addi %add3A_127, %iota3A : vector<16xi32>
      %rem3A = arith.constant 26 : i32
      %rem3A_129 = vector.broadcast %rem3A : i32 to vector<16xi32>
      %rem3A_130 = arith.remsi %add3A_128, %rem3A_129 : vector<16xi32>
      %mul3A_131 = arith.constant 16 : i32
      %mul3A_132 = arith.muli %scan3A_120, %mul3A_131 : i32
      %add3A_133 = arith.constant 0 : i32
      %add3A_134 = arith.addi %add3A_133, %mul3A_132 : i32
      %get3A = arith.index_cast %add3A_134 : i32 to index
      %get3A_135 = tpu.vector_load %arg5[%get3A] {strides = array<i32>} : memref<13312xi32, #tpu.memory_space<vmem>>, vector<16xi32>,
      %get3A_136 = vector.shape_cast %get3A_135 : vector<16xi32> to vector<16xi32>
      %mul3A_137 = arith.constant 100000 : i32
      %mul3A_138 = vector.broadcast %mul3A_137 : i32 to vector<16xi32>
      %mul3A_139 = arith.muli %rem3A_130, %mul3A_138 : vector<16xi32>
      %add3A_140 = arith.addi %get3A_136, %mul3A_139 : vector<16xi32>
      %mul3A_141 = arith.constant 16 : i32
      %mul3A_142 = arith.muli %scan3A_120, %mul3A_141 : i32
      %swap3A = arith.index_cast %mul3A_142 : i32 to index
      %swap3A_143 = tpu.vector_load %arg6[%swap3A] {strides = array<i32>} : memref<1664xi32, #tpu.memory_space<vmem>>, vector<16xi32>,
      %swap3A_144 = vector.shape_cast %swap3A_143 : vector<16xi32> to vector<16xi32>
      %swap3A_145 = vector.shape_cast %add3A_140 : vector<16xi32> to vector<16xi32>
      tpu.vector_store %arg6[%swap3A], %swap3A_145 {strides = array<i32>} : memref<1664xi32, #tpu.memory_space<vmem>>, vector<16xi32>,
      %scan3A_146 = arith.constant 0 : i32
      scf.yield %scan3A_146 : i32
    }
    %scan3A_8 = arith.constant 104 : i32
    %dma_start3A = arith.constant 0 : i32
    %dma_start3A_9 = arith.constant 0 : i32
    %dma_start3A_10 = tpu.memref_slice %arg2[%dma_start3A, %dma_start3A_9] : memref<2600000x16xf32, #tpu.memory_space<hbm>> -> memref<2600000x16xf32, #tpu.memory_space<hbm>>
    tpu.enqueue_indirect_dma source(%dma_start3A_10 : memref<2600000x16xf32, #tpu.memory_space<hbm>>) target(%arg8 : memref<1664x16xf32, #tpu.memory_space<vmem>>) offsets(%arg6 : memref<1664xi32, #tpu.memory_space<vmem>>) semaphore(%arg10 : memref<!tpu.dma_semaphore, #tpu.memory_space<semaphore_mem>>)
    %scan3A_11 = arith.constant 0 : i32
    %scan3A_12 = arith.constant 0 : i32
    %scan3A_13 = arith.constant 104 : i32
    %scan3A_14 = arith.addi %scan3A_12, %scan3A_13 : i32
    %scan3A_15 = arith.constant 1 : i32
    %scan3A_16 = scf.for %scan3A_120 = %scan3A_12 to %scan3A_14 step %scan3A_15 iter_args(%scan3A_121 = %scan3A_11) -> (i32)  : i32 {
      %add3A_122 = arith.constant 1664 : i32
      %add3A_123 = arith.addi %mul3A_2, %add3A_122 : i32
      %mul3A_124 = arith.constant 16 : i32
      %mul3A_125 = arith.muli %scan3A_120, %mul3A_124 : i32
      %add3A_126 = arith.addi %add3A_123, %mul3A_125 : i32
      %add3A_127 = vector.broadcast %add3A_126 : i32 to vector<16xi32>
      %add3A_128 = arith.addi %add3A_127, %iota3A : vector<16xi32>
      %rem3A = arith.constant 26 : i32
      %rem3A_129 = vector.broadcast %rem3A : i32 to vector<16xi32>
      %rem3A_130 = arith.remsi %add3A_128, %rem3A_129 : vector<16xi32>
      %mul3A_131 = arith.constant 16 : i32
      %mul3A_132 = arith.muli %scan3A_120, %mul3A_131 : i32
      %add3A_133 = arith.constant 1664 : i32
      %add3A_134 = arith.addi %add3A_133, %mul3A_132 : i32
      %get3A = arith.index_cast %add3A_134 : i32 to index
      %get3A_135 = tpu.vector_load %arg5[%get3A] {strides = array<i32>} : memref<13312xi32, #tpu.memory_space<vmem>>, vector<16xi32>,
      %get3A_136 = vector.shape_cast %get3A_135 : vector<16xi32> to vector<16xi32>
      %mul3A_137 = arith.constant 100000 : i32
      %mul3A_138 = vector.broadcast %mul3A_137 : i32 to vector<16xi32>
      %mul3A_139 = arith.muli %rem3A_130, %mul3A_138 : vector<16xi32>
      %add3A_140 = arith.addi %get3A_136, %mul3A_139 : vector<16xi32>
      %mul3A_141 = arith.constant 16 : i32
      %mul3A_142 = arith.muli %scan3A_120, %mul3A_141 : i32
      %swap3A = arith.index_cast %mul3A_142 : i32 to index
      %swap3A_143 = tpu.vector_load %arg7[%swap3A] {strides = array<i32>} : memref<1664xi32, #tpu.memory_space<vmem>>, vector<16xi32>,
      %swap3A_144 = vector.shape_cast %swap3A_143 : vector<16xi32> to vector<16xi32>
      %swap3A_145 = vector.shape_cast %add3A_140 : vector<16xi32> to vector<16xi32>
      tpu.vector_store %arg7[%swap3A], %swap3A_145 {strides = array<i32>} : memref<1664xi32, #tpu.memory_space<vmem>>, vector<16xi32>,
      %scan3A_146 = arith.constant 0 : i32
      scf.yield %scan3A_146 : i32
    }
    %scan3A_17 = arith.constant 104 : i32
    %dma_start3A_18 = arith.constant 0 : i32
    %dma_start3A_19 = arith.constant 0 : i32
    %dma_start3A_20 = tpu.memref_slice %arg2[%dma_start3A_18, %dma_start3A_19] : memref<2600000x16xf32, #tpu.memory_space<hbm>> -> memref<2600000x16xf32, #tpu.memory_space<hbm>>
    tpu.enqueue_indirect_dma source(%dma_start3A_20 : memref<2600000x16xf32, #tpu.memory_space<hbm>>) target(%arg9 : memref<1664x16xf32, #tpu.memory_space<vmem>>) offsets(%arg7 : memref<1664xi32, #tpu.memory_space<vmem>>) semaphore(%arg11 : memref<!tpu.dma_semaphore, #tpu.memory_space<semaphore_mem>>)
    %dma_wait3A = arith.constant 0 : i32
    %dma_wait3A_21 = arith.constant 0 : i32
    %dma_wait3A_22 = tpu.memref_slice %arg2[%dma_wait3A, %dma_wait3A_21] : memref<2600000x16xf32, #tpu.memory_space<hbm>> -> memref<2600000x16xf32, #tpu.memory_space<hbm>>
    tpu.wait_indirect_dma semaphore(%arg10 : memref<!tpu.dma_semaphore, #tpu.memory_space<semaphore_mem>>) src(%dma_wait3A_22 : memref<2600000x16xf32, #tpu.memory_space<hbm>>) dst(%arg8 : memref<1664x16xf32, #tpu.memory_space<vmem>>)
    %add3A_23 = arith.constant 0 : i32
    %add3A_24 = arith.addi %mul3A_2, %add3A_23 : i32
    "tpu.region"() ({
      %run_scoped3A = tpu.sem_alloc : memref<!tpu.dma_semaphore, #tpu.memory_space<semaphore_mem>>
      %dma_start3A_120 = arith.constant 0 : i32
      %dma_start3A_121 = tpu.memref_slice %arg4[%add3A_24, %dma_start3A_120] : memref<425984x16xf32, #tpu.memory_space<hbm>> -> memref<1664x16xf32, #tpu.memory_space<hbm>>
      %dma_start3A_122 = arith.constant 0 : i32
      %dma_start3A_123 = tpu.memref_slice %arg4[%add3A_24, %dma_start3A_122] : memref<425984x16xf32, #tpu.memory_space<hbm>> -> memref<1664x16xf32, #tpu.memory_space<hbm>>
      tpu.enqueue_dma source(%arg8 : memref<1664x16xf32, #tpu.memory_space<vmem>>) target(%dma_start3A_123 : memref<1664x16xf32, #tpu.memory_space<hbm>>) target_semaphore(%run_scoped3A : memref<!tpu.dma_semaphore, #tpu.memory_space<semaphore_mem>>)
      %dma_wait3A_124 = arith.constant 0 : i32
      %dma_wait3A_125 = tpu.memref_slice %arg4[%add3A_24, %dma_wait3A_124] : memref<425984x16xf32, #tpu.memory_space<hbm>> -> memref<1664x16xf32, #tpu.memory_space<hbm>>
      %dma_wait3A_126 = arith.constant 0 : i32
      %dma_wait3A_127 = tpu.memref_slice %arg4[%add3A_24, %dma_wait3A_126] : memref<425984x16xf32, #tpu.memory_space<hbm>> -> memref<1664x16xf32, #tpu.memory_space<hbm>>
      tpu.wait_dma2 semaphore(%run_scoped3A : memref<!tpu.dma_semaphore, #tpu.memory_space<semaphore_mem>>) src(%arg8 : memref<1664x16xf32, #tpu.memory_space<vmem>>) dst(%dma_wait3A_127 : memref<1664x16xf32, #tpu.memory_space<hbm>>)
      tpu.yield
    }) : () -> ()
    %scan3A_25 = arith.constant 0 : i32
    %scan3A_26 = arith.constant 0 : i32
    %scan3A_27 = arith.constant 104 : i32
    %scan3A_28 = arith.addi %scan3A_26, %scan3A_27 : i32
    %scan3A_29 = arith.constant 1 : i32
    %scan3A_30 = scf.for %scan3A_120 = %scan3A_26 to %scan3A_28 step %scan3A_29 iter_args(%scan3A_121 = %scan3A_25) -> (i32)  : i32 {
      %add3A_122 = arith.constant 3328 : i32
      %add3A_123 = arith.addi %mul3A_2, %add3A_122 : i32
      %mul3A_124 = arith.constant 16 : i32
      %mul3A_125 = arith.muli %scan3A_120, %mul3A_124 : i32
      %add3A_126 = arith.addi %add3A_123, %mul3A_125 : i32
      %add3A_127 = vector.broadcast %add3A_126 : i32 to vector<16xi32>
      %add3A_128 = arith.addi %add3A_127, %iota3A : vector<16xi32>
      %rem3A = arith.constant 26 : i32
      %rem3A_129 = vector.broadcast %rem3A : i32 to vector<16xi32>
      %rem3A_130 = arith.remsi %add3A_128, %rem3A_129 : vector<16xi32>
      %mul3A_131 = arith.constant 16 : i32
      %mul3A_132 = arith.muli %scan3A_120, %mul3A_131 : i32
      %add3A_133 = arith.constant 3328 : i32
      %add3A_134 = arith.addi %add3A_133, %mul3A_132 : i32
      %get3A = arith.index_cast %add3A_134 : i32 to index
      %get3A_135 = tpu.vector_load %arg5[%get3A] {strides = array<i32>} : memref<13312xi32, #tpu.memory_space<vmem>>, vector<16xi32>,
      %get3A_136 = vector.shape_cast %get3A_135 : vector<16xi32> to vector<16xi32>
      %mul3A_137 = arith.constant 100000 : i32
      %mul3A_138 = vector.broadcast %mul3A_137 : i32 to vector<16xi32>
      %mul3A_139 = arith.muli %rem3A_130, %mul3A_138 : vector<16xi32>
      %add3A_140 = arith.addi %get3A_136, %mul3A_139 : vector<16xi32>
      %mul3A_141 = arith.constant 16 : i32
      %mul3A_142 = arith.muli %scan3A_120, %mul3A_141 : i32
      %swap3A = arith.index_cast %mul3A_142 : i32 to index
      %swap3A_143 = tpu.vector_load %arg6[%swap3A] {strides = array<i32>} : memref<1664xi32, #tpu.memory_space<vmem>>, vector<16xi32>,
      %swap3A_144 = vector.shape_cast %swap3A_143 : vector<16xi32> to vector<16xi32>
      %swap3A_145 = vector.shape_cast %add3A_140 : vector<16xi32> to vector<16xi32>
      tpu.vector_store %arg6[%swap3A], %swap3A_145 {strides = array<i32>} : memref<1664xi32, #tpu.memory_space<vmem>>, vector<16xi32>,
      %scan3A_146 = arith.constant 0 : i32
      scf.yield %scan3A_146 : i32
    }
    %scan3A_31 = arith.constant 104 : i32
    %dma_start3A_32 = arith.constant 0 : i32
    %dma_start3A_33 = arith.constant 0 : i32
    %dma_start3A_34 = tpu.memref_slice %arg2[%dma_start3A_32, %dma_start3A_33] : memref<2600000x16xf32, #tpu.memory_space<hbm>> -> memref<2600000x16xf32, #tpu.memory_space<hbm>>
    tpu.enqueue_indirect_dma source(%dma_start3A_34 : memref<2600000x16xf32, #tpu.memory_space<hbm>>) target(%arg8 : memref<1664x16xf32, #tpu.memory_space<vmem>>) offsets(%arg6 : memref<1664xi32, #tpu.memory_space<vmem>>) semaphore(%arg10 : memref<!tpu.dma_semaphore, #tpu.memory_space<semaphore_mem>>)
    %dma_wait3A_35 = arith.constant 0 : i32
    %dma_wait3A_36 = arith.constant 0 : i32
    %dma_wait3A_37 = tpu.memref_slice %arg2[%dma_wait3A_35, %dma_wait3A_36] : memref<2600000x16xf32, #tpu.memory_space<hbm>> -> memref<2600000x16xf32, #tpu.memory_space<hbm>>
    tpu.wait_indirect_dma semaphore(%arg11 : memref<!tpu.dma_semaphore, #tpu.memory_space<semaphore_mem>>) src(%dma_wait3A_37 : memref<2600000x16xf32, #tpu.memory_space<hbm>>) dst(%arg9 : memref<1664x16xf32, #tpu.memory_space<vmem>>)
    %add3A_38 = arith.constant 1664 : i32
    %add3A_39 = arith.addi %mul3A_2, %add3A_38 : i32
    "tpu.region"() ({
      %run_scoped3A = tpu.sem_alloc : memref<!tpu.dma_semaphore, #tpu.memory_space<semaphore_mem>>
      %dma_start3A_120 = arith.constant 0 : i32
      %dma_start3A_121 = tpu.memref_slice %arg4[%add3A_39, %dma_start3A_120] : memref<425984x16xf32, #tpu.memory_space<hbm>> -> memref<1664x16xf32, #tpu.memory_space<hbm>>
      %dma_start3A_122 = arith.constant 0 : i32
      %dma_start3A_123 = tpu.memref_slice %arg4[%add3A_39, %dma_start3A_122] : memref<425984x16xf32, #tpu.memory_space<hbm>> -> memref<1664x16xf32, #tpu.memory_space<hbm>>
      tpu.enqueue_dma source(%arg9 : memref<1664x16xf32, #tpu.memory_space<vmem>>) target(%dma_start3A_123 : memref<1664x16xf32, #tpu.memory_space<hbm>>) target_semaphore(%run_scoped3A : memref<!tpu.dma_semaphore, #tpu.memory_space<semaphore_mem>>)
      %dma_wait3A_124 = arith.constant 0 : i32
      %dma_wait3A_125 = tpu.memref_slice %arg4[%add3A_39, %dma_wait3A_124] : memref<425984x16xf32, #tpu.memory_space<hbm>> -> memref<1664x16xf32, #tpu.memory_space<hbm>>
      %dma_wait3A_126 = arith.constant 0 : i32
      %dma_wait3A_127 = tpu.memref_slice %arg4[%add3A_39, %dma_wait3A_126] : memref<425984x16xf32, #tpu.memory_space<hbm>> -> memref<1664x16xf32, #tpu.memory_space<hbm>>
      tpu.wait_dma2 semaphore(%run_scoped3A : memref<!tpu.dma_semaphore, #tpu.memory_space<semaphore_mem>>) src(%arg9 : memref<1664x16xf32, #tpu.memory_space<vmem>>) dst(%dma_wait3A_127 : memref<1664x16xf32, #tpu.memory_space<hbm>>)
      tpu.yield
    }) : () -> ()
    %scan3A_40 = arith.constant 0 : i32
    %scan3A_41 = arith.constant 0 : i32
    %scan3A_42 = arith.constant 104 : i32
    %scan3A_43 = arith.addi %scan3A_41, %scan3A_42 : i32
    %scan3A_44 = arith.constant 1 : i32
    %scan3A_45 = scf.for %scan3A_120 = %scan3A_41 to %scan3A_43 step %scan3A_44 iter_args(%scan3A_121 = %scan3A_40) -> (i32)  : i32 {
      %add3A_122 = arith.constant 4992 : i32
      %add3A_123 = arith.addi %mul3A_2, %add3A_122 : i32
      %mul3A_124 = arith.constant 16 : i32
      %mul3A_125 = arith.muli %scan3A_120, %mul3A_124 : i32
      %add3A_126 = arith.addi %add3A_123, %mul3A_125 : i32
      %add3A_127 = vector.broadcast %add3A_126 : i32 to vector<16xi32>
      %add3A_128 = arith.addi %add3A_127, %iota3A : vector<16xi32>
      %rem3A = arith.constant 26 : i32
      %rem3A_129 = vector.broadcast %rem3A : i32 to vector<16xi32>
      %rem3A_130 = arith.remsi %add3A_128, %rem3A_129 : vector<16xi32>
      %mul3A_131 = arith.constant 16 : i32
      %mul3A_132 = arith.muli %scan3A_120, %mul3A_131 : i32
      %add3A_133 = arith.constant 4992 : i32
      %add3A_134 = arith.addi %add3A_133, %mul3A_132 : i32
      %get3A = arith.index_cast %add3A_134 : i32 to index
      %get3A_135 = tpu.vector_load %arg5[%get3A] {strides = array<i32>} : memref<13312xi32, #tpu.memory_space<vmem>>, vector<16xi32>,
      %get3A_136 = vector.shape_cast %get3A_135 : vector<16xi32> to vector<16xi32>
      %mul3A_137 = arith.constant 100000 : i32
      %mul3A_138 = vector.broadcast %mul3A_137 : i32 to vector<16xi32>
      %mul3A_139 = arith.muli %rem3A_130, %mul3A_138 : vector<16xi32>
      %add3A_140 = arith.addi %get3A_136, %mul3A_139 : vector<16xi32>
      %mul3A_141 = arith.constant 16 : i32
      %mul3A_142 = arith.muli %scan3A_120, %mul3A_141 : i32
      %swap3A = arith.index_cast %mul3A_142 : i32 to index
      %swap3A_143 = tpu.vector_load %arg7[%swap3A] {strides = array<i32>} : memref<1664xi32, #tpu.memory_space<vmem>>, vector<16xi32>,
      %swap3A_144 = vector.shape_cast %swap3A_143 : vector<16xi32> to vector<16xi32>
      %swap3A_145 = vector.shape_cast %add3A_140 : vector<16xi32> to vector<16xi32>
      tpu.vector_store %arg7[%swap3A], %swap3A_145 {strides = array<i32>} : memref<1664xi32, #tpu.memory_space<vmem>>, vector<16xi32>,
      %scan3A_146 = arith.constant 0 : i32
      scf.yield %scan3A_146 : i32
    }
    %scan3A_46 = arith.constant 104 : i32
    %dma_start3A_47 = arith.constant 0 : i32
    %dma_start3A_48 = arith.constant 0 : i32
    %dma_start3A_49 = tpu.memref_slice %arg2[%dma_start3A_47, %dma_start3A_48] : memref<2600000x16xf32, #tpu.memory_space<hbm>> -> memref<2600000x16xf32, #tpu.memory_space<hbm>>
    tpu.enqueue_indirect_dma source(%dma_start3A_49 : memref<2600000x16xf32, #tpu.memory_space<hbm>>) target(%arg9 : memref<1664x16xf32, #tpu.memory_space<vmem>>) offsets(%arg7 : memref<1664xi32, #tpu.memory_space<vmem>>) semaphore(%arg11 : memref<!tpu.dma_semaphore, #tpu.memory_space<semaphore_mem>>)
    %dma_wait3A_50 = arith.constant 0 : i32
    %dma_wait3A_51 = arith.constant 0 : i32
    %dma_wait3A_52 = tpu.memref_slice %arg2[%dma_wait3A_50, %dma_wait3A_51] : memref<2600000x16xf32, #tpu.memory_space<hbm>> -> memref<2600000x16xf32, #tpu.memory_space<hbm>>
    tpu.wait_indirect_dma semaphore(%arg10 : memref<!tpu.dma_semaphore, #tpu.memory_space<semaphore_mem>>) src(%dma_wait3A_52 : memref<2600000x16xf32, #tpu.memory_space<hbm>>) dst(%arg8 : memref<1664x16xf32, #tpu.memory_space<vmem>>)
    %add3A_53 = arith.constant 3328 : i32
    %add3A_54 = arith.addi %mul3A_2, %add3A_53 : i32
    "tpu.region"() ({
      %run_scoped3A = tpu.sem_alloc : memref<!tpu.dma_semaphore, #tpu.memory_space<semaphore_mem>>
      %dma_start3A_120 = arith.constant 0 : i32
      %dma_start3A_121 = tpu.memref_slice %arg4[%add3A_54, %dma_start3A_120] : memref<425984x16xf32, #tpu.memory_space<hbm>> -> memref<1664x16xf32, #tpu.memory_space<hbm>>
      %dma_start3A_122 = arith.constant 0 : i32
      %dma_start3A_123 = tpu.memref_slice %arg4[%add3A_54, %dma_start3A_122] : memref<425984x16xf32, #tpu.memory_space<hbm>> -> memref<1664x16xf32, #tpu.memory_space<hbm>>
      tpu.enqueue_dma source(%arg8 : memref<1664x16xf32, #tpu.memory_space<vmem>>) target(%dma_start3A_123 : memref<1664x16xf32, #tpu.memory_space<hbm>>) target_semaphore(%run_scoped3A : memref<!tpu.dma_semaphore, #tpu.memory_space<semaphore_mem>>)
      %dma_wait3A_124 = arith.constant 0 : i32
      %dma_wait3A_125 = tpu.memref_slice %arg4[%add3A_54, %dma_wait3A_124] : memref<425984x16xf32, #tpu.memory_space<hbm>> -> memref<1664x16xf32, #tpu.memory_space<hbm>>
      %dma_wait3A_126 = arith.constant 0 : i32
      %dma_wait3A_127 = tpu.memref_slice %arg4[%add3A_54, %dma_wait3A_126] : memref<425984x16xf32, #tpu.memory_space<hbm>> -> memref<1664x16xf32, #tpu.memory_space<hbm>>
      tpu.wait_dma2 semaphore(%run_scoped3A : memref<!tpu.dma_semaphore, #tpu.memory_space<semaphore_mem>>) src(%arg8 : memref<1664x16xf32, #tpu.memory_space<vmem>>) dst(%dma_wait3A_127 : memref<1664x16xf32, #tpu.memory_space<hbm>>)
      tpu.yield
    }) : () -> ()
    %scan3A_55 = arith.constant 0 : i32
    %scan3A_56 = arith.constant 0 : i32
    %scan3A_57 = arith.constant 104 : i32
    %scan3A_58 = arith.addi %scan3A_56, %scan3A_57 : i32
    %scan3A_59 = arith.constant 1 : i32
    %scan3A_60 = scf.for %scan3A_120 = %scan3A_56 to %scan3A_58 step %scan3A_59 iter_args(%scan3A_121 = %scan3A_55) -> (i32)  : i32 {
      %add3A_122 = arith.constant 6656 : i32
      %add3A_123 = arith.addi %mul3A_2, %add3A_122 : i32
      %mul3A_124 = arith.constant 16 : i32
      %mul3A_125 = arith.muli %scan3A_120, %mul3A_124 : i32
      %add3A_126 = arith.addi %add3A_123, %mul3A_125 : i32
      %add3A_127 = vector.broadcast %add3A_126 : i32 to vector<16xi32>
      %add3A_128 = arith.addi %add3A_127, %iota3A : vector<16xi32>
      %rem3A = arith.constant 26 : i32
      %rem3A_129 = vector.broadcast %rem3A : i32 to vector<16xi32>
      %rem3A_130 = arith.remsi %add3A_128, %rem3A_129 : vector<16xi32>
      %mul3A_131 = arith.constant 16 : i32
      %mul3A_132 = arith.muli %scan3A_120, %mul3A_131 : i32
      %add3A_133 = arith.constant 6656 : i32
      %add3A_134 = arith.addi %add3A_133, %mul3A_132 : i32
      %get3A = arith.index_cast %add3A_134 : i32 to index
      %get3A_135 = tpu.vector_load %arg5[%get3A] {strides = array<i32>} : memref<13312xi32, #tpu.memory_space<vmem>>, vector<16xi32>,
      %get3A_136 = vector.shape_cast %get3A_135 : vector<16xi32> to vector<16xi32>
      %mul3A_137 = arith.constant 100000 : i32
      %mul3A_138 = vector.broadcast %mul3A_137 : i32 to vector<16xi32>
      %mul3A_139 = arith.muli %rem3A_130, %mul3A_138 : vector<16xi32>
      %add3A_140 = arith.addi %get3A_136, %mul3A_139 : vector<16xi32>
      %mul3A_141 = arith.constant 16 : i32
      %mul3A_142 = arith.muli %scan3A_120, %mul3A_141 : i32
      %swap3A = arith.index_cast %mul3A_142 : i32 to index
      %swap3A_143 = tpu.vector_load %arg6[%swap3A] {strides = array<i32>} : memref<1664xi32, #tpu.memory_space<vmem>>, vector<16xi32>,
      %swap3A_144 = vector.shape_cast %swap3A_143 : vector<16xi32> to vector<16xi32>
      %swap3A_145 = vector.shape_cast %add3A_140 : vector<16xi32> to vector<16xi32>
      tpu.vector_store %arg6[%swap3A], %swap3A_145 {strides = array<i32>} : memref<1664xi32, #tpu.memory_space<vmem>>, vector<16xi32>,
      %scan3A_146 = arith.constant 0 : i32
      scf.yield %scan3A_146 : i32
    }
    %scan3A_61 = arith.constant 104 : i32
    %dma_start3A_62 = arith.constant 0 : i32
    %dma_start3A_63 = arith.constant 0 : i32
    %dma_start3A_64 = tpu.memref_slice %arg2[%dma_start3A_62, %dma_start3A_63] : memref<2600000x16xf32, #tpu.memory_space<hbm>> -> memref<2600000x16xf32, #tpu.memory_space<hbm>>
    tpu.enqueue_indirect_dma source(%dma_start3A_64 : memref<2600000x16xf32, #tpu.memory_space<hbm>>) target(%arg8 : memref<1664x16xf32, #tpu.memory_space<vmem>>) offsets(%arg6 : memref<1664xi32, #tpu.memory_space<vmem>>) semaphore(%arg10 : memref<!tpu.dma_semaphore, #tpu.memory_space<semaphore_mem>>)
    %dma_wait3A_65 = arith.constant 0 : i32
    %dma_wait3A_66 = arith.constant 0 : i32
    %dma_wait3A_67 = tpu.memref_slice %arg2[%dma_wait3A_65, %dma_wait3A_66] : memref<2600000x16xf32, #tpu.memory_space<hbm>> -> memref<2600000x16xf32, #tpu.memory_space<hbm>>
    tpu.wait_indirect_dma semaphore(%arg11 : memref<!tpu.dma_semaphore, #tpu.memory_space<semaphore_mem>>) src(%dma_wait3A_67 : memref<2600000x16xf32, #tpu.memory_space<hbm>>) dst(%arg9 : memref<1664x16xf32, #tpu.memory_space<vmem>>)
    %add3A_68 = arith.constant 4992 : i32
    %add3A_69 = arith.addi %mul3A_2, %add3A_68 : i32
    "tpu.region"() ({
      %run_scoped3A = tpu.sem_alloc : memref<!tpu.dma_semaphore, #tpu.memory_space<semaphore_mem>>
      %dma_start3A_120 = arith.constant 0 : i32
      %dma_start3A_121 = tpu.memref_slice %arg4[%add3A_69, %dma_start3A_120] : memref<425984x16xf32, #tpu.memory_space<hbm>> -> memref<1664x16xf32, #tpu.memory_space<hbm>>
      %dma_start3A_122 = arith.constant 0 : i32
      %dma_start3A_123 = tpu.memref_slice %arg4[%add3A_69, %dma_start3A_122] : memref<425984x16xf32, #tpu.memory_space<hbm>> -> memref<1664x16xf32, #tpu.memory_space<hbm>>
      tpu.enqueue_dma source(%arg9 : memref<1664x16xf32, #tpu.memory_space<vmem>>) target(%dma_start3A_123 : memref<1664x16xf32, #tpu.memory_space<hbm>>) target_semaphore(%run_scoped3A : memref<!tpu.dma_semaphore, #tpu.memory_space<semaphore_mem>>)
      %dma_wait3A_124 = arith.constant 0 : i32
      %dma_wait3A_125 = tpu.memref_slice %arg4[%add3A_69, %dma_wait3A_124] : memref<425984x16xf32, #tpu.memory_space<hbm>> -> memref<1664x16xf32, #tpu.memory_space<hbm>>
      %dma_wait3A_126 = arith.constant 0 : i32
      %dma_wait3A_127 = tpu.memref_slice %arg4[%add3A_69, %dma_wait3A_126] : memref<425984x16xf32, #tpu.memory_space<hbm>> -> memref<1664x16xf32, #tpu.memory_space<hbm>>
      tpu.wait_dma2 semaphore(%run_scoped3A : memref<!tpu.dma_semaphore, #tpu.memory_space<semaphore_mem>>) src(%arg9 : memref<1664x16xf32, #tpu.memory_space<vmem>>) dst(%dma_wait3A_127 : memref<1664x16xf32, #tpu.memory_space<hbm>>)
      tpu.yield
    }) : () -> ()
    %scan3A_70 = arith.constant 0 : i32
    %scan3A_71 = arith.constant 0 : i32
    %scan3A_72 = arith.constant 104 : i32
    %scan3A_73 = arith.addi %scan3A_71, %scan3A_72 : i32
    %scan3A_74 = arith.constant 1 : i32
    %scan3A_75 = scf.for %scan3A_120 = %scan3A_71 to %scan3A_73 step %scan3A_74 iter_args(%scan3A_121 = %scan3A_70) -> (i32)  : i32 {
      %add3A_122 = arith.constant 8320 : i32
      %add3A_123 = arith.addi %mul3A_2, %add3A_122 : i32
      %mul3A_124 = arith.constant 16 : i32
      %mul3A_125 = arith.muli %scan3A_120, %mul3A_124 : i32
      %add3A_126 = arith.addi %add3A_123, %mul3A_125 : i32
      %add3A_127 = vector.broadcast %add3A_126 : i32 to vector<16xi32>
      %add3A_128 = arith.addi %add3A_127, %iota3A : vector<16xi32>
      %rem3A = arith.constant 26 : i32
      %rem3A_129 = vector.broadcast %rem3A : i32 to vector<16xi32>
      %rem3A_130 = arith.remsi %add3A_128, %rem3A_129 : vector<16xi32>
      %mul3A_131 = arith.constant 16 : i32
      %mul3A_132 = arith.muli %scan3A_120, %mul3A_131 : i32
      %add3A_133 = arith.constant 8320 : i32
      %add3A_134 = arith.addi %add3A_133, %mul3A_132 : i32
      %get3A = arith.index_cast %add3A_134 : i32 to index
      %get3A_135 = tpu.vector_load %arg5[%get3A] {strides = array<i32>} : memref<13312xi32, #tpu.memory_space<vmem>>, vector<16xi32>,
      %get3A_136 = vector.shape_cast %get3A_135 : vector<16xi32> to vector<16xi32>
      %mul3A_137 = arith.constant 100000 : i32
      %mul3A_138 = vector.broadcast %mul3A_137 : i32 to vector<16xi32>
      %mul3A_139 = arith.muli %rem3A_130, %mul3A_138 : vector<16xi32>
      %add3A_140 = arith.addi %get3A_136, %mul3A_139 : vector<16xi32>
      %mul3A_141 = arith.constant 16 : i32
      %mul3A_142 = arith.muli %scan3A_120, %mul3A_141 : i32
      %swap3A = arith.index_cast %mul3A_142 : i32 to index
      %swap3A_143 = tpu.vector_load %arg7[%swap3A] {strides = array<i32>} : memref<1664xi32, #tpu.memory_space<vmem>>, vector<16xi32>,
      %swap3A_144 = vector.shape_cast %swap3A_143 : vector<16xi32> to vector<16xi32>
      %swap3A_145 = vector.shape_cast %add3A_140 : vector<16xi32> to vector<16xi32>
      tpu.vector_store %arg7[%swap3A], %swap3A_145 {strides = array<i32>} : memref<1664xi32, #tpu.memory_space<vmem>>, vector<16xi32>,
      %scan3A_146 = arith.constant 0 : i32
      scf.yield %scan3A_146 : i32
    }
    %scan3A_76 = arith.constant 104 : i32
    %dma_start3A_77 = arith.constant 0 : i32
    %dma_start3A_78 = arith.constant 0 : i32
    %dma_start3A_79 = tpu.memref_slice %arg2[%dma_start3A_77, %dma_start3A_78] : memref<2600000x16xf32, #tpu.memory_space<hbm>> -> memref<2600000x16xf32, #tpu.memory_space<hbm>>
    tpu.enqueue_indirect_dma source(%dma_start3A_79 : memref<2600000x16xf32, #tpu.memory_space<hbm>>) target(%arg9 : memref<1664x16xf32, #tpu.memory_space<vmem>>) offsets(%arg7 : memref<1664xi32, #tpu.memory_space<vmem>>) semaphore(%arg11 : memref<!tpu.dma_semaphore, #tpu.memory_space<semaphore_mem>>)
    %dma_wait3A_80 = arith.constant 0 : i32
    %dma_wait3A_81 = arith.constant 0 : i32
    %dma_wait3A_82 = tpu.memref_slice %arg2[%dma_wait3A_80, %dma_wait3A_81] : memref<2600000x16xf32, #tpu.memory_space<hbm>> -> memref<2600000x16xf32, #tpu.memory_space<hbm>>
    tpu.wait_indirect_dma semaphore(%arg10 : memref<!tpu.dma_semaphore, #tpu.memory_space<semaphore_mem>>) src(%dma_wait3A_82 : memref<2600000x16xf32, #tpu.memory_space<hbm>>) dst(%arg8 : memref<1664x16xf32, #tpu.memory_space<vmem>>)
    %add3A_83 = arith.constant 6656 : i32
    %add3A_84 = arith.addi %mul3A_2, %add3A_83 : i32
    "tpu.region"() ({
      %run_scoped3A = tpu.sem_alloc : memref<!tpu.dma_semaphore, #tpu.memory_space<semaphore_mem>>
      %dma_start3A_120 = arith.constant 0 : i32
      %dma_start3A_121 = tpu.memref_slice %arg4[%add3A_84, %dma_start3A_120] : memref<425984x16xf32, #tpu.memory_space<hbm>> -> memref<1664x16xf32, #tpu.memory_space<hbm>>
      %dma_start3A_122 = arith.constant 0 : i32
      %dma_start3A_123 = tpu.memref_slice %arg4[%add3A_84, %dma_start3A_122] : memref<425984x16xf32, #tpu.memory_space<hbm>> -> memref<1664x16xf32, #tpu.memory_space<hbm>>
      tpu.enqueue_dma source(%arg8 : memref<1664x16xf32, #tpu.memory_space<vmem>>) target(%dma_start3A_123 : memref<1664x16xf32, #tpu.memory_space<hbm>>) target_semaphore(%run_scoped3A : memref<!tpu.dma_semaphore, #tpu.memory_space<semaphore_mem>>)
      %dma_wait3A_124 = arith.constant 0 : i32
      %dma_wait3A_125 = tpu.memref_slice %arg4[%add3A_84, %dma_wait3A_124] : memref<425984x16xf32, #tpu.memory_space<hbm>> -> memref<1664x16xf32, #tpu.memory_space<hbm>>
      %dma_wait3A_126 = arith.constant 0 : i32
      %dma_wait3A_127 = tpu.memref_slice %arg4[%add3A_84, %dma_wait3A_126] : memref<425984x16xf32, #tpu.memory_space<hbm>> -> memref<1664x16xf32, #tpu.memory_space<hbm>>
      tpu.wait_dma2 semaphore(%run_scoped3A : memref<!tpu.dma_semaphore, #tpu.memory_space<semaphore_mem>>) src(%arg8 : memref<1664x16xf32, #tpu.memory_space<vmem>>) dst(%dma_wait3A_127 : memref<1664x16xf32, #tpu.memory_space<hbm>>)
      tpu.yield
    }) : () -> ()
    %scan3A_85 = arith.constant 0 : i32
    %scan3A_86 = arith.constant 0 : i32
    %scan3A_87 = arith.constant 104 : i32
    %scan3A_88 = arith.addi %scan3A_86, %scan3A_87 : i32
    %scan3A_89 = arith.constant 1 : i32
    %scan3A_90 = scf.for %scan3A_120 = %scan3A_86 to %scan3A_88 step %scan3A_89 iter_args(%scan3A_121 = %scan3A_85) -> (i32)  : i32 {
      %add3A_122 = arith.constant 9984 : i32
      %add3A_123 = arith.addi %mul3A_2, %add3A_122 : i32
      %mul3A_124 = arith.constant 16 : i32
      %mul3A_125 = arith.muli %scan3A_120, %mul3A_124 : i32
      %add3A_126 = arith.addi %add3A_123, %mul3A_125 : i32
      %add3A_127 = vector.broadcast %add3A_126 : i32 to vector<16xi32>
      %add3A_128 = arith.addi %add3A_127, %iota3A : vector<16xi32>
      %rem3A = arith.constant 26 : i32
      %rem3A_129 = vector.broadcast %rem3A : i32 to vector<16xi32>
      %rem3A_130 = arith.remsi %add3A_128, %rem3A_129 : vector<16xi32>
      %mul3A_131 = arith.constant 16 : i32
      %mul3A_132 = arith.muli %scan3A_120, %mul3A_131 : i32
      %add3A_133 = arith.constant 9984 : i32
      %add3A_134 = arith.addi %add3A_133, %mul3A_132 : i32
      %get3A = arith.index_cast %add3A_134 : i32 to index
      %get3A_135 = tpu.vector_load %arg5[%get3A] {strides = array<i32>} : memref<13312xi32, #tpu.memory_space<vmem>>, vector<16xi32>,
      %get3A_136 = vector.shape_cast %get3A_135 : vector<16xi32> to vector<16xi32>
      %mul3A_137 = arith.constant 100000 : i32
      %mul3A_138 = vector.broadcast %mul3A_137 : i32 to vector<16xi32>
      %mul3A_139 = arith.muli %rem3A_130, %mul3A_138 : vector<16xi32>
      %add3A_140 = arith.addi %get3A_136, %mul3A_139 : vector<16xi32>
      %mul3A_141 = arith.constant 16 : i32
      %mul3A_142 = arith.muli %scan3A_120, %mul3A_141 : i32
      %swap3A = arith.index_cast %mul3A_142 : i32 to index
      %swap3A_143 = tpu.vector_load %arg6[%swap3A] {strides = array<i32>} : memref<1664xi32, #tpu.memory_space<vmem>>, vector<16xi32>,
      %swap3A_144 = vector.shape_cast %swap3A_143 : vector<16xi32> to vector<16xi32>
      %swap3A_145 = vector.shape_cast %add3A_140 : vector<16xi32> to vector<16xi32>
      tpu.vector_store %arg6[%swap3A], %swap3A_145 {strides = array<i32>} : memref<1664xi32, #tpu.memory_space<vmem>>, vector<16xi32>,
      %scan3A_146 = arith.constant 0 : i32
      scf.yield %scan3A_146 : i32
    }
    %scan3A_91 = arith.constant 104 : i32
    %dma_start3A_92 = arith.constant 0 : i32
    %dma_start3A_93 = arith.constant 0 : i32
    %dma_start3A_94 = tpu.memref_slice %arg2[%dma_start3A_92, %dma_start3A_93] : memref<2600000x16xf32, #tpu.memory_space<hbm>> -> memref<2600000x16xf32, #tpu.memory_space<hbm>>
    tpu.enqueue_indirect_dma source(%dma_start3A_94 : memref<2600000x16xf32, #tpu.memory_space<hbm>>) target(%arg8 : memref<1664x16xf32, #tpu.memory_space<vmem>>) offsets(%arg6 : memref<1664xi32, #tpu.memory_space<vmem>>) semaphore(%arg10 : memref<!tpu.dma_semaphore, #tpu.memory_space<semaphore_mem>>)
    %dma_wait3A_95 = arith.constant 0 : i32
    %dma_wait3A_96 = arith.constant 0 : i32
    %dma_wait3A_97 = tpu.memref_slice %arg2[%dma_wait3A_95, %dma_wait3A_96] : memref<2600000x16xf32, #tpu.memory_space<hbm>> -> memref<2600000x16xf32, #tpu.memory_space<hbm>>
    tpu.wait_indirect_dma semaphore(%arg11 : memref<!tpu.dma_semaphore, #tpu.memory_space<semaphore_mem>>) src(%dma_wait3A_97 : memref<2600000x16xf32, #tpu.memory_space<hbm>>) dst(%arg9 : memref<1664x16xf32, #tpu.memory_space<vmem>>)
    %add3A_98 = arith.constant 8320 : i32
    %add3A_99 = arith.addi %mul3A_2, %add3A_98 : i32
    "tpu.region"() ({
      %run_scoped3A = tpu.sem_alloc : memref<!tpu.dma_semaphore, #tpu.memory_space<semaphore_mem>>
      %dma_start3A_120 = arith.constant 0 : i32
      %dma_start3A_121 = tpu.memref_slice %arg4[%add3A_99, %dma_start3A_120] : memref<425984x16xf32, #tpu.memory_space<hbm>> -> memref<1664x16xf32, #tpu.memory_space<hbm>>
      %dma_start3A_122 = arith.constant 0 : i32
      %dma_start3A_123 = tpu.memref_slice %arg4[%add3A_99, %dma_start3A_122] : memref<425984x16xf32, #tpu.memory_space<hbm>> -> memref<1664x16xf32, #tpu.memory_space<hbm>>
      tpu.enqueue_dma source(%arg9 : memref<1664x16xf32, #tpu.memory_space<vmem>>) target(%dma_start3A_123 : memref<1664x16xf32, #tpu.memory_space<hbm>>) target_semaphore(%run_scoped3A : memref<!tpu.dma_semaphore, #tpu.memory_space<semaphore_mem>>)
      %dma_wait3A_124 = arith.constant 0 : i32
      %dma_wait3A_125 = tpu.memref_slice %arg4[%add3A_99, %dma_wait3A_124] : memref<425984x16xf32, #tpu.memory_space<hbm>> -> memref<1664x16xf32, #tpu.memory_space<hbm>>
      %dma_wait3A_126 = arith.constant 0 : i32
      %dma_wait3A_127 = tpu.memref_slice %arg4[%add3A_99, %dma_wait3A_126] : memref<425984x16xf32, #tpu.memory_space<hbm>> -> memref<1664x16xf32, #tpu.memory_space<hbm>>
      tpu.wait_dma2 semaphore(%run_scoped3A : memref<!tpu.dma_semaphore, #tpu.memory_space<semaphore_mem>>) src(%arg9 : memref<1664x16xf32, #tpu.memory_space<vmem>>) dst(%dma_wait3A_127 : memref<1664x16xf32, #tpu.memory_space<hbm>>)
      tpu.yield
    }) : () -> ()
    %scan3A_100 = arith.constant 0 : i32
    %scan3A_101 = arith.constant 0 : i32
    %scan3A_102 = arith.constant 104 : i32
    %scan3A_103 = arith.addi %scan3A_101, %scan3A_102 : i32
    %scan3A_104 = arith.constant 1 : i32
    %scan3A_105 = scf.for %scan3A_120 = %scan3A_101 to %scan3A_103 step %scan3A_104 iter_args(%scan3A_121 = %scan3A_100) -> (i32)  : i32 {
      %add3A_122 = arith.constant 11648 : i32
      %add3A_123 = arith.addi %mul3A_2, %add3A_122 : i32
      %mul3A_124 = arith.constant 16 : i32
      %mul3A_125 = arith.muli %scan3A_120, %mul3A_124 : i32
      %add3A_126 = arith.addi %add3A_123, %mul3A_125 : i32
      %add3A_127 = vector.broadcast %add3A_126 : i32 to vector<16xi32>
      %add3A_128 = arith.addi %add3A_127, %iota3A : vector<16xi32>
      %rem3A = arith.constant 26 : i32
      %rem3A_129 = vector.broadcast %rem3A : i32 to vector<16xi32>
      %rem3A_130 = arith.remsi %add3A_128, %rem3A_129 : vector<16xi32>
      %mul3A_131 = arith.constant 16 : i32
      %mul3A_132 = arith.muli %scan3A_120, %mul3A_131 : i32
      %add3A_133 = arith.constant 11648 : i32
      %add3A_134 = arith.addi %add3A_133, %mul3A_132 : i32
      %get3A = arith.index_cast %add3A_134 : i32 to index
      %get3A_135 = tpu.vector_load %arg5[%get3A] {strides = array<i32>} : memref<13312xi32, #tpu.memory_space<vmem>>, vector<16xi32>,
      %get3A_136 = vector.shape_cast %get3A_135 : vector<16xi32> to vector<16xi32>
      %mul3A_137 = arith.constant 100000 : i32
      %mul3A_138 = vector.broadcast %mul3A_137 : i32 to vector<16xi32>
      %mul3A_139 = arith.muli %rem3A_130, %mul3A_138 : vector<16xi32>
      %add3A_140 = arith.addi %get3A_136, %mul3A_139 : vector<16xi32>
      %mul3A_141 = arith.constant 16 : i32
      %mul3A_142 = arith.muli %scan3A_120, %mul3A_141 : i32
      %swap3A = arith.index_cast %mul3A_142 : i32 to index
      %swap3A_143 = tpu.vector_load %arg7[%swap3A] {strides = array<i32>} : memref<1664xi32, #tpu.memory_space<vmem>>, vector<16xi32>,
      %swap3A_144 = vector.shape_cast %swap3A_143 : vector<16xi32> to vector<16xi32>
      %swap3A_145 = vector.shape_cast %add3A_140 : vector<16xi32> to vector<16xi32>
      tpu.vector_store %arg7[%swap3A], %swap3A_145 {strides = array<i32>} : memref<1664xi32, #tpu.memory_space<vmem>>, vector<16xi32>,
      %scan3A_146 = arith.constant 0 : i32
      scf.yield %scan3A_146 : i32
    }
    %scan3A_106 = arith.constant 104 : i32
    %dma_start3A_107 = arith.constant 0 : i32
    %dma_start3A_108 = arith.constant 0 : i32
    %dma_start3A_109 = tpu.memref_slice %arg2[%dma_start3A_107, %dma_start3A_108] : memref<2600000x16xf32, #tpu.memory_space<hbm>> -> memref<2600000x16xf32, #tpu.memory_space<hbm>>
    tpu.enqueue_indirect_dma source(%dma_start3A_109 : memref<2600000x16xf32, #tpu.memory_space<hbm>>) target(%arg9 : memref<1664x16xf32, #tpu.memory_space<vmem>>) offsets(%arg7 : memref<1664xi32, #tpu.memory_space<vmem>>) semaphore(%arg11 : memref<!tpu.dma_semaphore, #tpu.memory_space<semaphore_mem>>)
    %dma_wait3A_110 = arith.constant 0 : i32
    %dma_wait3A_111 = arith.constant 0 : i32
    %dma_wait3A_112 = tpu.memref_slice %arg2[%dma_wait3A_110, %dma_wait3A_111] : memref<2600000x16xf32, #tpu.memory_space<hbm>> -> memref<2600000x16xf32, #tpu.memory_space<hbm>>
    tpu.wait_indirect_dma semaphore(%arg10 : memref<!tpu.dma_semaphore, #tpu.memory_space<semaphore_mem>>) src(%dma_wait3A_112 : memref<2600000x16xf32, #tpu.memory_space<hbm>>) dst(%arg8 : memref<1664x16xf32, #tpu.memory_space<vmem>>)
    %add3A_113 = arith.constant 9984 : i32
    %add3A_114 = arith.addi %mul3A_2, %add3A_113 : i32
    "tpu.region"() ({
      %run_scoped3A = tpu.sem_alloc : memref<!tpu.dma_semaphore, #tpu.memory_space<semaphore_mem>>
      %dma_start3A_120 = arith.constant 0 : i32
      %dma_start3A_121 = tpu.memref_slice %arg4[%add3A_114, %dma_start3A_120] : memref<425984x16xf32, #tpu.memory_space<hbm>> -> memref<1664x16xf32, #tpu.memory_space<hbm>>
      %dma_start3A_122 = arith.constant 0 : i32
      %dma_start3A_123 = tpu.memref_slice %arg4[%add3A_114, %dma_start3A_122] : memref<425984x16xf32, #tpu.memory_space<hbm>> -> memref<1664x16xf32, #tpu.memory_space<hbm>>
      tpu.enqueue_dma source(%arg8 : memref<1664x16xf32, #tpu.memory_space<vmem>>) target(%dma_start3A_123 : memref<1664x16xf32, #tpu.memory_space<hbm>>) target_semaphore(%run_scoped3A : memref<!tpu.dma_semaphore, #tpu.memory_space<semaphore_mem>>)
      %dma_wait3A_124 = arith.constant 0 : i32
      %dma_wait3A_125 = tpu.memref_slice %arg4[%add3A_114, %dma_wait3A_124] : memref<425984x16xf32, #tpu.memory_space<hbm>> -> memref<1664x16xf32, #tpu.memory_space<hbm>>
      %dma_wait3A_126 = arith.constant 0 : i32
      %dma_wait3A_127 = tpu.memref_slice %arg4[%add3A_114, %dma_wait3A_126] : memref<425984x16xf32, #tpu.memory_space<hbm>> -> memref<1664x16xf32, #tpu.memory_space<hbm>>
      tpu.wait_dma2 semaphore(%run_scoped3A : memref<!tpu.dma_semaphore, #tpu.memory_space<semaphore_mem>>) src(%arg8 : memref<1664x16xf32, #tpu.memory_space<vmem>>) dst(%dma_wait3A_127 : memref<1664x16xf32, #tpu.memory_space<hbm>>)
      tpu.yield
    }) : () -> ()
    %dma_wait3A_115 = arith.constant 0 : i32
    %dma_wait3A_116 = arith.constant 0 : i32
    %dma_wait3A_117 = tpu.memref_slice %arg2[%dma_wait3A_115, %dma_wait3A_116] : memref<2600000x16xf32, #tpu.memory_space<hbm>> -> memref<2600000x16xf32, #tpu.memory_space<hbm>>
    tpu.wait_indirect_dma semaphore(%arg11 : memref<!tpu.dma_semaphore, #tpu.memory_space<semaphore_mem>>) src(%dma_wait3A_117 : memref<2600000x16xf32, #tpu.memory_space<hbm>>) dst(%arg9 : memref<1664x16xf32, #tpu.memory_space<vmem>>)
    %add3A_118 = arith.constant 11648 : i32
    %add3A_119 = arith.addi %mul3A_2, %add3A_118 : i32
    "tpu.region"() ({
      %run_scoped3A = tpu.sem_alloc : memref<!tpu.dma_semaphore, #tpu.memory_space<semaphore_mem>>
      %dma_start3A_120 = arith.constant 0 : i32
      %dma_start3A_121 = tpu.memref_slice %arg4[%add3A_119, %dma_start3A_120] : memref<425984x16xf32, #tpu.memory_space<hbm>> -> memref<1664x16xf32, #tpu.memory_space<hbm>>
      %dma_start3A_122 = arith.constant 0 : i32
      %dma_start3A_123 = tpu.memref_slice %arg4[%add3A_119, %dma_start3A_122] : memref<425984x16xf32, #tpu.memory_space<hbm>> -> memref<1664x16xf32, #tpu.memory_space<hbm>>
      tpu.enqueue_dma source(%arg9 : memref<1664x16xf32, #tpu.memory_space<vmem>>) target(%dma_start3A_123 : memref<1664x16xf32, #tpu.memory_space<hbm>>) target_semaphore(%run_scoped3A : memref<!tpu.dma_semaphore, #tpu.memory_space<semaphore_mem>>)
      %dma_wait3A_124 = arith.constant 0 : i32
      %dma_wait3A_125 = tpu.memref_slice %arg4[%add3A_119, %dma_wait3A_124] : memref<425984x16xf32, #tpu.memory_space<hbm>> -> memref<1664x16xf32, #tpu.memory_space<hbm>>
      %dma_wait3A_126 = arith.constant 0 : i32
      %dma_wait3A_127 = tpu.memref_slice %arg4[%add3A_119, %dma_wait3A_126] : memref<425984x16xf32, #tpu.memory_space<hbm>> -> memref<1664x16xf32, #tpu.memory_space<hbm>>
      tpu.wait_dma2 semaphore(%run_scoped3A : memref<!tpu.dma_semaphore, #tpu.memory_space<semaphore_mem>>) src(%arg9 : memref<1664x16xf32, #tpu.memory_space<vmem>>) dst(%dma_wait3A_127 : memref<1664x16xf32, #tpu.memory_space<hbm>>)
      tpu.yield
    }) : () -> ()
    return
  }
}

module attributes {stable_mosaic.version = 14 : i64} {
  func.func @_dense_body(%arg0: i32, %arg1: memref<1024x416xf32, #tpu.memory_space<vmem>>, %arg2: memref<416x256xf32, #tpu.memory_space<vmem>>, %arg3: memref<1x256xf32, #tpu.memory_space<vmem>>, %arg4: memref<256x128xf32, #tpu.memory_space<vmem>>, %arg5: memref<1x128xf32, #tpu.memory_space<vmem>>, %arg6: memref<128x64xf32, #tpu.memory_space<vmem>>, %arg7: memref<1x64xf32, #tpu.memory_space<vmem>>, %arg8: memref<1x416xf32, #tpu.memory_space<vmem>>, %arg9: memref<1x64xf32, #tpu.memory_space<vmem>>, %arg10: memref<1x1xf32, #tpu.memory_space<vmem>>, %arg11: memref<1024x1xf32, #tpu.memory_space<vmem>>) attributes {dimension_semantics = [#tpu.dimension_semantics<arbitrary>], iteration_bounds = array<i64: 16>, scalar_prefetch = 0 : i64, scratch_operands = 0 : i64, tpu.core_type = #tpu.core_type<tc>, window_params = [{transform_indices = @transform_0, window_bounds = array<i64: 1024, 416>}, {pipeline_mode = #tpu.pipeline_mode<synchronous>, transform_indices = @transform_1, window_bounds = array<i64: 416, 256>}, {pipeline_mode = #tpu.pipeline_mode<synchronous>, transform_indices = @transform_2, window_bounds = array<i64: 1, 256>}, {pipeline_mode = #tpu.pipeline_mode<synchronous>, transform_indices = @transform_3, window_bounds = array<i64: 256, 128>}, {pipeline_mode = #tpu.pipeline_mode<synchronous>, transform_indices = @transform_4, window_bounds = array<i64: 1, 128>}, {pipeline_mode = #tpu.pipeline_mode<synchronous>, transform_indices = @transform_5, window_bounds = array<i64: 128, 64>}, {pipeline_mode = #tpu.pipeline_mode<synchronous>, transform_indices = @transform_6, window_bounds = array<i64: 1, 64>}, {pipeline_mode = #tpu.pipeline_mode<synchronous>, transform_indices = @transform_7, window_bounds = array<i64: 1, 416>}, {pipeline_mode = #tpu.pipeline_mode<synchronous>, transform_indices = @transform_8, window_bounds = array<i64: 1, 64>}, {pipeline_mode = #tpu.pipeline_mode<synchronous>, transform_indices = @transform_9, window_bounds = array<i64: 1, 1>}, {transform_indices = @transform_10, window_bounds = array<i64: 1024, 1>}]} {
    %get3A = arith.constant 0 : index
    %get3A_0 = arith.constant 0 : index
    %get3A_1 = vector.load %arg1[%get3A, %get3A_0] : memref<1024x416xf32, #tpu.memory_space<vmem>>, vector<1024x416xf32>
    %get3A_2 = arith.constant 0 : index
    %get3A_3 = arith.constant 0 : index
    %get3A_4 = vector.load %arg2[%get3A_2, %get3A_3] : memref<416x256xf32, #tpu.memory_space<vmem>>, vector<416x256xf32>
    %dot_general3A = arith.constant dense<0.000000e+00> : vector<1024x256xf32>
    %dot_general3A_5 = tpu.matmul %get3A_1, %get3A_4, %dot_general3A {dimension_numbers = #tpu.dot_dimension_numbers<[1], [0], [0], [1], [0, 0, 1, 1], [], []>, transpose_lhs_hint = false} : vector<1024x416xf32>, vector<416x256xf32>, vector<1024x256xf32> -> vector<1024x256xf32>
    %get3A_6 = arith.constant 0 : index
    %get3A_7 = arith.constant 0 : index
    %get3A_8 = vector.load %arg3[%get3A_6, %get3A_7] : memref<1x256xf32, #tpu.memory_space<vmem>>, vector<1x256xf32>
    %add3A = vector.broadcast %get3A_8 : vector<1x256xf32> to vector<1024x256xf32>
    %add3A_9 = arith.addf %dot_general3A_5, %add3A : vector<1024x256xf32>
    %max3A = arith.constant 0.000000e+00 : f32
    %max3A_10 = vector.broadcast %max3A : f32 to vector<1024x256xf32>
    %max3A_11 = arith.maximumf %add3A_9, %max3A_10 : vector<1024x256xf32>
    %get3A_12 = arith.constant 0 : index
    %get3A_13 = arith.constant 0 : index
    %get3A_14 = vector.load %arg4[%get3A_12, %get3A_13] : memref<256x128xf32, #tpu.memory_space<vmem>>, vector<256x128xf32>
    %dot_general3A_15 = arith.constant dense<0.000000e+00> : vector<1024x128xf32>
    %dot_general3A_16 = tpu.matmul %max3A_11, %get3A_14, %dot_general3A_15 {dimension_numbers = #tpu.dot_dimension_numbers<[1], [0], [0], [1], [0, 0, 1, 1], [], []>, transpose_lhs_hint = false} : vector<1024x256xf32>, vector<256x128xf32>, vector<1024x128xf32> -> vector<1024x128xf32>
    %get3A_17 = arith.constant 0 : index
    %get3A_18 = arith.constant 0 : index
    %get3A_19 = vector.load %arg5[%get3A_17, %get3A_18] : memref<1x128xf32, #tpu.memory_space<vmem>>, vector<1x128xf32>
    %add3A_20 = vector.broadcast %get3A_19 : vector<1x128xf32> to vector<1024x128xf32>
    %add3A_21 = arith.addf %dot_general3A_16, %add3A_20 : vector<1024x128xf32>
    %max3A_22 = arith.constant 0.000000e+00 : f32
    %max3A_23 = vector.broadcast %max3A_22 : f32 to vector<1024x128xf32>
    %max3A_24 = arith.maximumf %add3A_21, %max3A_23 : vector<1024x128xf32>
    %get3A_25 = arith.constant 0 : index
    %get3A_26 = arith.constant 0 : index
    %get3A_27 = vector.load %arg6[%get3A_25, %get3A_26] : memref<128x64xf32, #tpu.memory_space<vmem>>, vector<128x64xf32>
    %dot_general3A_28 = arith.constant dense<0.000000e+00> : vector<1024x64xf32>
    %dot_general3A_29 = tpu.matmul %max3A_24, %get3A_27, %dot_general3A_28 {dimension_numbers = #tpu.dot_dimension_numbers<[1], [0], [0], [1], [0, 0, 1, 1], [], []>, transpose_lhs_hint = false} : vector<1024x128xf32>, vector<128x64xf32>, vector<1024x64xf32> -> vector<1024x64xf32>
    %get3A_30 = arith.constant 0 : index
    %get3A_31 = arith.constant 0 : index
    %get3A_32 = vector.load %arg7[%get3A_30, %get3A_31] : memref<1x64xf32, #tpu.memory_space<vmem>>, vector<1x64xf32>
    %add3A_33 = vector.broadcast %get3A_32 : vector<1x64xf32> to vector<1024x64xf32>
    %add3A_34 = arith.addf %dot_general3A_29, %add3A_33 : vector<1024x64xf32>
    %max3A_35 = arith.constant 0.000000e+00 : f32
    %max3A_36 = vector.broadcast %max3A_35 : f32 to vector<1024x64xf32>
    %max3A_37 = arith.maximumf %add3A_34, %max3A_36 : vector<1024x64xf32>
    %get3A_38 = arith.constant 0 : index
    %get3A_39 = arith.constant 0 : index
    %get3A_40 = vector.load %arg8[%get3A_38, %get3A_39] : memref<1x416xf32, #tpu.memory_space<vmem>>, vector<1x416xf32>
    %mul3A = vector.broadcast %get3A_40 : vector<1x416xf32> to vector<1024x416xf32>
    %mul3A_41 = arith.mulf %get3A_1, %mul3A : vector<1024x416xf32>
    %reduce_sum3A = arith.constant dense<0.000000e+00> : vector<1024xf32>
    %reduce_sum3A_42 = vector.multi_reduction <add>, %mul3A_41, %reduce_sum3A [1] : vector<1024x416xf32> to vector<1024xf32>
    %broadcast_in_dim3A = vector.shape_cast %reduce_sum3A_42 : vector<1024xf32> to vector<1024x1xf32>
    %get3A_43 = arith.constant 0 : index
    %get3A_44 = arith.constant 0 : index
    %get3A_45 = vector.load %arg9[%get3A_43, %get3A_44] : memref<1x64xf32, #tpu.memory_space<vmem>>, vector<1x64xf32>
    %mul3A_46 = vector.broadcast %get3A_45 : vector<1x64xf32> to vector<1024x64xf32>
    %mul3A_47 = arith.mulf %max3A_37, %mul3A_46 : vector<1024x64xf32>
    %reduce_sum3A_48 = arith.constant dense<0.000000e+00> : vector<1024xf32>
    %reduce_sum3A_49 = vector.multi_reduction <add>, %mul3A_47, %reduce_sum3A_48 [1] : vector<1024x64xf32> to vector<1024xf32>
    %broadcast_in_dim3A_50 = vector.shape_cast %reduce_sum3A_49 : vector<1024xf32> to vector<1024x1xf32>
    %add3A_51 = arith.addf %broadcast_in_dim3A, %broadcast_in_dim3A_50 : vector<1024x1xf32>
    %get3A_52 = arith.constant 0 : index
    %get3A_53 = arith.constant 0 : index
    %get3A_54 = vector.load %arg10[%get3A_52, %get3A_53] : memref<1x1xf32, #tpu.memory_space<vmem>>, vector<1x1xf32>
    %add3A_55 = vector.broadcast %get3A_54 : vector<1x1xf32> to vector<1024x1xf32>
    %add3A_56 = arith.addf %add3A_51, %add3A_55 : vector<1024x1xf32>
    %swap3A = arith.constant 0 : index
    %swap3A_57 = arith.constant 0 : index
    %swap3A_58 = vector.load %arg11[%swap3A, %swap3A_57] : memref<1024x1xf32, #tpu.memory_space<vmem>>, vector<1024x1xf32>
    tpu.vector_store %arg11[%swap3A, %swap3A_57], %add3A_56 {strides = array<i32>} : memref<1024x1xf32, #tpu.memory_space<vmem>>, vector<1024x1xf32>,
    return
  }
  func.func @transform_0(%arg0: i32) -> (i32, i32) {
    %c0_i32 = arith.constant 0 : i32
    %c0_i32_0 = arith.constant 0 : i32
    return %arg0, %c0_i32 : i32, i32
  }
  func.func @transform_1(%arg0: i32) -> (i32, i32) {
    %c0_i32 = arith.constant 0 : i32
    %c0_i32_0 = arith.constant 0 : i32
    %c0_i32_1 = arith.constant 0 : i32
    return %c0_i32, %c0_i32_0 : i32, i32
  }
  func.func @transform_2(%arg0: i32) -> (i32, i32) {
    %c0_i32 = arith.constant 0 : i32
    %c0_i32_0 = arith.constant 0 : i32
    %c0_i32_1 = arith.constant 0 : i32
    return %c0_i32, %c0_i32_0 : i32, i32
  }
  func.func @transform_3(%arg0: i32) -> (i32, i32) {
    %c0_i32 = arith.constant 0 : i32
    %c0_i32_0 = arith.constant 0 : i32
    %c0_i32_1 = arith.constant 0 : i32
    return %c0_i32, %c0_i32_0 : i32, i32
  }
  func.func @transform_4(%arg0: i32) -> (i32, i32) {
    %c0_i32 = arith.constant 0 : i32
    %c0_i32_0 = arith.constant 0 : i32
    %c0_i32_1 = arith.constant 0 : i32
    return %c0_i32, %c0_i32_0 : i32, i32
  }
  func.func @transform_5(%arg0: i32) -> (i32, i32) {
    %c0_i32 = arith.constant 0 : i32
    %c0_i32_0 = arith.constant 0 : i32
    %c0_i32_1 = arith.constant 0 : i32
    return %c0_i32, %c0_i32_0 : i32, i32
  }
  func.func @transform_6(%arg0: i32) -> (i32, i32) {
    %c0_i32 = arith.constant 0 : i32
    %c0_i32_0 = arith.constant 0 : i32
    %c0_i32_1 = arith.constant 0 : i32
    return %c0_i32, %c0_i32_0 : i32, i32
  }
  func.func @transform_7(%arg0: i32) -> (i32, i32) {
    %c0_i32 = arith.constant 0 : i32
    %c0_i32_0 = arith.constant 0 : i32
    %c0_i32_1 = arith.constant 0 : i32
    return %c0_i32, %c0_i32_0 : i32, i32
  }
  func.func @transform_8(%arg0: i32) -> (i32, i32) {
    %c0_i32 = arith.constant 0 : i32
    %c0_i32_0 = arith.constant 0 : i32
    %c0_i32_1 = arith.constant 0 : i32
    return %c0_i32, %c0_i32_0 : i32, i32
  }
  func.func @transform_9(%arg0: i32) -> (i32, i32) {
    %c0_i32 = arith.constant 0 : i32
    %c0_i32_0 = arith.constant 0 : i32
    %c0_i32_1 = arith.constant 0 : i32
    return %c0_i32, %c0_i32_0 : i32, i32
  }
  func.func @transform_10(%arg0: i32) -> (i32, i32) {
    %c0_i32 = arith.constant 0 : i32
    %c0_i32_0 = arith.constant 0 : i32
    return %arg0, %c0_i32 : i32, i32
  }
}

</mosaic_0001>

<sc_bundles>
// kernel: kernel.4.cloned.1.call-start
scs
__scs_entry_jumppad:
0x0: {  	(pc) =	sbr.rel $0x88, $3  }
0x1: {  	(tag) =	ssettag $0x0;
	lr =	simm.s32 $0x1  }
0x2: {  	[smem:$0x3F95] =	sst lr;
	_ =	strace $0xD0000000  }
0x3: {  	_ = 	snop  }
0x4: {  	_ = 	snop  }
0x5: {  	_ = 	snop  }
0x6: {  	_ = 	snop  }
0x7: {  	_ = 	snop  }
__scs_overlays_trampoline_lowered:
0x8: {  	[smem:$0x3FA4] =	sst s0  }
0x9: {  	[smem:$0x3FA5] =	sst s1  }
0xa: {  	[smem:$0x3FA6] =	sst s2  }
0xb: {  	[smem:$0x3FA7] =	sst s3  }
0xc: {  	[smem:$0x3FA8] =	sst s4  }
0xd: {  	[smem:$0x3FA9] =	sst s5  }
0xe: {  	[smem:$0x3FAA] =	sst s6  }
0xf: {  	[smem:$0x3FAB] =	sst s7  }
0x10: {  	[smem:$0x3FAC] =	sst s8  }
0x11: {  	[smem:$0x3FAD] =	sst s9;
	s0 =	simm.s32 @!p0 $0x0  }
0x12: {  	s1 =	sld [smem:$0x3F93];
	s0 =	simm.s32 @p0 $0x1  }
0x13: {  	[smem:$0x3FAE] =	sst s0;
	s0 =	simm.s32 @!p1 $0x0  }
0x14: {  	s2 =	sld [smem:$0x3F92];
	s0 =	simm.s32 @p1 $0x1  }
0x15: {  	[smem:$0x3FAF] =	sst s0;
	s0 =	simm.s32 @!p2 $0x0  }
0x16: {  	s3 =	sld [smem:$0x3FDB];
	s0 =	simm.s32 @p2 $0x1  }
0x17: {  	s4 =	simm.s32 $0x1BF5;
	[smem:$0x3FB1] =	sst s0  }
0x18: {  	s0 =	sld [smem:$0x3F94];
	_ =	swait.ge [sflag:s4], $0x0  }
0x19: {  	s7 =	sld [smem:$0x3F95]  }
0x1a: {  	s8 =	sadd.s32 $0xFFFFE003, lr  }
0x1b: {  	s9 =	sadd.s32 $0xFFFFFEF7, lr;
	s5 =	simm.s32 $0xFFFFFFFF;
	p2 =	slt.u32 s8, $0xFFFFF086  }
0x1c: {  	p1 =	slt.u32 s9, $0xF7A;
	s5 =	simm.s32 @!p2 $0x0  }
0x1d: {  	s5 =	simm.s32 @p1 $0x1;
	p0 =	seq.s32 s7, s2  }
0x1e: {  	s7 =	smul.u32 @!p0 $0xF7A, s2;
	p2 =	seq.s32 @!p0 s5, $0x0  }
0x1f: {  	s9 =	smul.u32 $0xF7A, s1;
	s8 =	simm.s32 @!p0 $0x1BF5;
	p2 =	por !p2, p0  }
0x20: {  	[sflag:s8] =	ssyncset.s32 @!p0 $0xFFFFF086;
	s6 =	sadd.s32 @!p0 s3, s7;
	s7 =	simm.s32 @!p0 $0x108  }
0x21: {  	s3 =	sadd.s32 s3, s9;
	s6 =	sadd.s32 @!p0 $0x88, s6;
	s7 =	simm.s32 @p2 $0x1082  }
0x22: {  	[simem:s7], [sflag:s8] =	dma.local @!p0 [hbm:s6], $0xF7A  }
0x23: {  	s9 =	sor.u32 $0xD0000000, s2;
	s6 =	simm.s32 $0x108;
	_ =	swait.ge @!p0 [sflag:s8], $0x0  }
0x24: {  	s3 =	sadd.s32 $0x88, s3;
	s6 =	simm.s32 @!p1 $0x1082;
	[sflag:s4] =	ssyncset.s32 $0xFFFFF086  }
0x25: {  	[simem:s6], [sflag:s4] =	dma.local [hbm:s3], $0xF7A  }
0x26: {  	[smem:$0x3F95] =	sst s1;
	(tag) =	ssettag s2;
	_ =	strace s9  }
0x27: {  	s1 =	sld [smem:$0x3FA5]  }
0x28: {  	s2 =	sld [smem:$0x3FA6]  }
0x29: {  	s4 =	sld [smem:$0x3FA8]  }
0x2a: {  	p0 =	seq.s32 s5, $0x0;
	s5 =	sld [smem:$0x3FA9]  }
0x2b: {  	s6 =	sld [smem:$0x3FAA]  }
0x2c: {  	s7 =	sld [smem:$0x3FAB]  }
0x2d: {  	s3 =	simm.s32 $0x108;
	s8 =	sld [smem:$0x3FAC]  }
0x2e: {  	s3 =	simm.s32 @!p0 $0x1082;
	s9 =	sld [smem:$0x3FAD]  }
0x2f: {  	lr =	sadd.s32 s0, s3;
	s0 =	sld [smem:$0x3FA4]  }
0x30: {  	s3 =	sld [smem:$0x3FA7]  }
0x31: {  	[smem:$0x3FB0] =	sst s10  }
0x32: {  	s10 =	sld [smem:$0x3FAE];
	_ =	sdelay $0x3  }
0x33: {  	p0 =	seq.s32 s10, $0x1;
	s10 =	sld [smem:$0x3FB0];
	_ =	sdelay $0x3  }
0x34: {  	[smem:$0x3FB0] =	sst s10  }
0x35: {  	s10 =	sld [smem:$0x3FAF];
	_ =	sdelay $0x3  }
0x36: {  	p1 =	seq.s32 s10, $0x1;
	s10 =	sld [smem:$0x3FB0];
	_ =	sdelay $0x3  }
0x37: {  	[smem:$0x3FB0] =	sst s10  }
0x38: {  	s10 =	sld [smem:$0x3FB1]  }
0x39: {  	_ = 	snop;
	(pc) =	sbr.ind lr, $3  }
0x3a: {  	_ = 	snop  }
0x3b: {  	_ = 	snop  }
0x3c: {  	p2 =	seq.s32 s10, $0x1;
	s10 =	sld [smem:$0x3FB0]  }
0x3d: {  	_ =	shalt  }
0x3e: {  	_ =	shalt  }
0x3f: {  	_ =	shalt  }
0x40: {  	_ =	shalt  }
0x41: {  	_ =	shalt  }
0x42: {  	_ =	shalt  }
0x43: {  	_ =	shalt  }
0x44: {  	_ =	shalt  }
0x45: {  	_ =	shalt  }
0x46: {  	_ =	shalt  }
0x47: {  	_ =	shalt  }
0x48: {  	_ =	shalt  }
0x49: {  	_ =	shalt  }
0x4a: {  	_ =	shalt  }
0x4b: {  	_ =	shalt  }
0x4c: {  	_ =	shalt  }
0x4d: {  	_ =	shalt  }
0x4e: {  	_ =	shalt  }
0x4f: {  	_ =	shalt  }
0x50: {  	_ =	shalt  }
0x51: {  	_ =	shalt  }
0x52: {  	_ =	shalt  }
0x53: {  	_ =	shalt  }
0x54: {  	_ =	shalt  }
0x55: {  	_ =	shalt  }
0x56: {  	_ =	shalt  }
0x57: {  	_ =	shalt  }
0x58: {  	_ =	shalt  }
0x59: {  	_ =	shalt  }
0x5a: {  	_ =	shalt  }
0x5b: {  	_ =	shalt  }
0x5c: {  	_ =	shalt  }
0x5d: {  	_ =	shalt  }
0x5e: {  	_ =	shalt  }
0x5f: {  	_ =	shalt  }
0x60: {  	_ =	shalt  }
0x61: {  	_ =	shalt  }
0x62: {  	_ =	shalt  }
0x63: {  	_ =	shalt  }
0x64: {  	_ =	shalt  }
0x65: {  	_ =	shalt  }
0x66: {  	_ =	shalt  }
0x67: {  	_ =	shalt  }
0x68: {  	_ =	shalt  }
0x69: {  	_ =	shalt  }
0x6a: {  	_ =	shalt  }
0x6b: {  	_ =	shalt  }
0x6c: {  	_ =	shalt  }
0x6d: {  	_ =	shalt  }
0x6e: {  	_ =	shalt  }
0x6f: {  	_ =	shalt  }
0x70: {  	_ =	shalt  }
0x71: {  	_ =	shalt  }
0x72: {  	_ =	shalt  }
0x73: {  	_ =	shalt  }
0x74: {  	_ =	shalt  }
0x75: {  	_ =	shalt  }
0x76: {  	_ =	shalt  }
0x77: {  	_ =	shalt  }
0x78: {  	_ =	shalt  }
0x79: {  	_ =	shalt  }
0x7a: {  	_ =	shalt  }
0x7b: {  	_ =	shalt  }
0x7c: {  	_ =	shalt  }
0x7d: {  	_ =	shalt  }
0x7e: {  	_ =	shalt  }
0x7f: {  	_ =	shalt  }
0x80: {  	_ =	shalt  }
0x81: {  	_ =	shalt  }
0x82: {  	_ =	shalt  }
0x83: {  	_ =	shalt  }
0x84: {  	_ =	shalt  }
0x85: {  	_ =	shalt  }
0x86: {  	_ =	shalt  }
0x87: {  	_ =	shalt  }
.Lfunc_end0:
.L_simem_size_0:
called_computation_lowered:
.L_overlay_start_0:
0x88: {  	s2 =	sld [smem:$0x3FD9]  }
0x89: {  	s3 =	sld [smem:$0x3FFE];
	_ =	sdelay $0x1  }
0x8a: {  	s1 =	srdreg.scid  }
0x8b: {  	s0 =	sand.u32 $0x1, s1  }
0x8c: {  	s16 =	sshll.u32 s0, $0xA;
	s2 =	sadd.s32 s3, s2  }
0x8d: {  	s2 =	sadd.s32 s2, s16  }
0x8e: {  	[smem:$0x3FBC] =	sst s2  }
0x8f: {  	_ = 	snop  }
0x90: {  	(tm) =	ssettm $0x1  }
0x91: {  	s17 =	sld [smem:$0x3FFB];
	_ =	sdelay $0x3  }
0x92: {  	_ =	strace s17  }
0x93: {  	s2 =	sld [smem:$0x3FFC];
	_ =	sdelay $0x3  }
0x94: {  	_ =	strace s2  }
0x95: {  	s2 =	sld [smem:$0x3FFD];
	_ =	sdelay $0x3  }
0x96: {  	_ =	strace s2  }
0x97: {  	_ =	strace $0x8FFFFFFF  }
0x98: {  	s18 =	sld [smem:$0x3FDB];
	_ =	sdelay $0x1  }
0x99: {  	s19 =	simm.s32 $_scs_section_size  }
0x9a: {  	s4 =	simm.s32 $_size__tile_overlayer_lowered;
	s5 =	simm.s32 $_tile_overlayer_lowered  }
0x9b: {  	s22 =	simm.s32 $0x1BFF;
	s21 =	sshll.u32 s5, $0x1;
	s2 =	sadd.s32 s19, s18  }
0x9c: {  	s6 =	simm.s32 $0x0;
	s20 =	sshll.u32 s4, $0x1;
	s4 =	sadd.s32 s21, s2  }
0x9d: {  	[timem:s6], [sflag:s22] =	dma.local [hbm:s4], s20  }
0x9e: {  	_ =	swait.ge [sflag:s22], s20  }
0x9f: {  	s3 =	ssub.s32 $0x0, s20;
	[sflag:s22] =	ssyncset.done $0x0  }
0xa0: {  	[sflag:s22] =	ssyncadd.s32 s3;
	_ =	sdelay $0x1  }
0xa1: {  	s23 =	simm.s32 $0x1B8B  }
0xa2: {  	_ =	swait.ge [sflag:s23], $0x1  }
0xa3: {  	[sflag:s23] =	ssyncset.done $0x0  }
0xa4: {  	s25 =	simm.s32 $0x1B8E;
	s24 =	sld [smem:$0x3FFE];
	[sflag:s23] =	ssyncadd.s32 $0xFFFFFFFF  }
0xa5: {  	s26 =	simm.s32 $execute0_lowered;
	[smem:$0x3FD2] =	sst s25  }
0xa6: {  	s4 =	sshll.u32 s26, $0x1;
	_ =	strace $0x80000046;
	[dreg:$0x1] =	wrdreg $0xFFFFFFFF  }
0xa7: {  	s28 =	simm.s32 $_size_execute0_lowered;
	s2 =	sadd.s32 s2, s4;
	[dreg:$0x0] =	wrdreg $0x0  }
0xa8: {  	s4 =	sshll.u32 s28, $0x1;
	[dreg:$0x2] =	wrdreg s2  }
0xa9: {  	[dreg:$0x3] =	wrdreg s4  }
0xaa: {  	[dreg:$0x4] =	wrdreg $0xC0  }
0xab: {  	_ =	task [dreg:s6], $0x5FFFF  }
0xac: {  	[dreg:$0x1] =	wrdreg $0xFFFFFFFF  }
0xad: {  	[dreg:$0x0] =	wrdreg $0x60  }
0xae: {  	[dreg:$0x2] =	wrdreg s24  }
0xaf: {  	[dreg:$0x3] =	wrdreg $0x9  }
0xb0: {  	_ =	task.clear_ibuf [dreg:s6], $0x4FFFF;
	_ =	strace $0x90000046  }
0xb1: {  	s29 =	simm.s32 $0x9;
	_ =	strace $0x80000048  }
0xb2: {  	_ =	swait.ge [sflag:s29], $0x1  }
0xb3: {  	[sflag:s29] =	ssyncadd.s32 $0xFFFFFFFF  }
0xb4: {  	_ =	strace $0x90000048  }
0xb5: {  	_ =	sfence  }
0xb6: {  	s30 =	sld [smem:$0x0];
	_ =	sdelay $0x2  }
0xb7: {  	s31 =	sshll.u32 s1, $0xD;
	s1 =	sshrl.u32 s1, $0x2  }
0xb8: {  	s3 =	sand.u32 $0x4000, s31;
	s1 =	sadd.s32 s1, s30  }
0xb9: {  	s0 =	sor.u32 s3, s0;
	s1 =	sshll.u32 s1, $0x11  }
0xba: {  	s0 =	sor.u32 s1, s0  }
0xbb: {  	s0 =	sadd.s32 $0x8F2B, s0  }
0xbc: {  	[sflag:s0] =	ssyncadd.remote.s32 $0x1  }
0xbd: {  	_ =	sfence.sel $0xFFFF  }
0xbe: {  	[dreg:$0x0] =	wrdreg $0xFFFFFFFF;
	(pc) =	sbr.abs _section_cstart, $3  }
0xbf: {  	[dreg:$0x1] =	wrdreg $0xFFFFFFFF  }
0xc0: {  	_ =	task.clear_ibuf [dreg:s6], $0x2FFFF;
	_ =	strace $0x9FFFFFFF  }
0xc1: {  	(tm) =	ssettm $0x7FFFFFFF  }
tec
execute0_lowered:
.L_overlay_start_1:
0x0: {  	(tag) =	ssettag $0x1  }
0x1: {  	s0 =	srdreg.scid  }
0x2: {  	s9 =	stileid.u32;
	s1 =	rddreg [dreg:$0x0];
	s2 =	simm.s32 $0x0  }
0x3: {  	s22 =	simm.s32 $0x3;
	s23 =	simm.s32 $0x680;
	s24 =	simm.s32 $0x3400  }
0x4: {  	s25 =	simm.s32 $0x4100;
	s28 =	simm.s32 $0xA900;
	s29 =	simm.s32 $0x1  }
0x5: {  	s0 =	sand.u32 $0x1, s0;
	s3 =	sshll.u32 s9, $0x1;
	s12 =	smul.u32 $0x6800, s9  }
0x6: {  	s4 =	sor.u32 s0, s3;
	s6 =	ssub.s32 $0x2, s0;
	s0 =	smul.u32 $0x3400, s0  }
0x7: {  	s30 =	simm.s32 $0x2;
	[smem:$0x7FF] =	sst s2;
	s5 =	smul.u32 $0x3400, s4  }
0x8: {  	s31 =	simm.s32 $0x0;
	_ =	strace $0x80000047;
	s7 =	smul.u32 $0x34000, s4  }
0x9: {  	s3 =	sadd.s32 $0x27AD600, s1;
	s8 =	sshrl.u32 s6, $0x1;
	s4 =	smul.u32 $0x6800, s4  }
0xa: {  	s14 =	ssub.s32 s6, s8;
	s12 =	sadd.s32 s0, s12;
	s5 =	sshrl.u32 s5, $0x3  }
0xb: {  	s26 =	sshrl.u32 s7, $0x3;
	s14 =	smax.u32 s14, $0x1;
	s15 =	sadd.s32 $0x680, s12  }
0xc: {  	s16 =	sadd.s32 $0xD00, s12;
	s17 =	sadd.s32 $0x1380, s12;
	s18 =	sadd.s32 $0x1A00, s12  }
0xd: {  	s19 =	sadd.s32 $0x2080, s12;
	s20 =	sadd.s32 $0x2700, s12;
	s5 =	sadd.s32 s5, s1  }
0xe: {  	s21 =	sadd.s32 $0x2D80, s12;
	s1 =	sadd.s32 $0xE200, s1;
	s5 =	sadd.s32 $0x1200, s5  }
0xf: {  	s13 =	sadd.s32 s1, s26;
	s1 =	sadd.s32 s1, s4;
	[dreg:$0x2] =	wrdreg s5  }
0x10: {  	s26 =	simm.s32 $0x3A80;
	[dreg:$0x3] =	wrdreg s1;
	s6 =	sadd.s32 $0xD00, s13  }
0x11: {  	s7 =	sadd.s32 $0x1A00, s13;
	s8 =	sadd.s32 $0x2700, s13;
	s9 =	sadd.s32 $0x3400, s13  }
0x12: {  	v0 =	vlaneseq.u32;
	s10 =	sadd.s32 $0x4100, s13;
	s11 =	sadd.s32 $0x4E00, s13;
	s13 =	sadd.s32 $0x5B00, s13  }
.LBB2_1:
0x13: {  	s0 =	rddreg [dreg:$0x2]  }
0x14: {  	v1 =	vor.u32 s12, v0;
	[tilespmem:s2], [sflag:$0x3] =	stream.linear.gather [hbm4b:s0+s2], $0x3400, $0x38;
	[tilespmem:$0x11100] =	vst v63  }
0x15: {  	v2 =	vmulhi.u32 $0x4EC4EC4F, v1;
	_ =	swait.ge [sflag:s22], $0x3400  }
0x16: {  	[sflag:s22] =	ssyncset.done $0x0  }
0x17: {  	s1 =	simm.s32 $0x0;
	v2 =	vshrl.u32 v2, $0x3;
	[sflag:s22] =	ssyncadd.s32 $0xFFFFCC00  }
0x18: {  	v3 =	vmul.u32 $0x1A, v2;
	v2 =	vld [tilespmem:s1+$0x0]  }
0x19: {  	s4 =	sadd.s32 $0x10, s12;
	s0 =	simm.s32 $0x40  }
.LBB2_2:
0x1a: {  	p0 =	sne.s32 s0, $0x19C0;
	v3 =	vsub.s32 v1, v3;
	v1 =	vor.u32 s4, v0;
	s5 =	smov.u32 s0;
	s0 =	sadd.s32 $0x40, s0  }
.Ltmp0:
0x1b: {  	v4 =	vmulhi.u32 $0x4EC4EC4F, v1;
	v3 =	vmul.u32 $0x186A0, v3;
	(pc) =	sbr.rel @p0 .LBB2_2-.Ltmp0, $4  }
0x1c: {  	_ = 	snop  }
0x1d: {  	s5 =	sshra.s32 s5, $0x2;
	v4 =	vshrl.u32 v4, $0x3;
	v5 =	vadd.s32 v3, v2  }
0x1e: {  	v3 =	vmul.u32 $0x1A, v4;
	v2 =	vld [tilespmem:s5+$0x0];
	[tilespmem:s1+$0x3400] =	vst v5;
	s1 =	smov.u32 s5  }
0x1f: {  	s4 =	sadd.s32 $0x10, s4  }
0x20: {  	v1 =	vsub.s32 v1, v3  }
0x21: {  	v1 =	vmul.u32 $0x186A0, v1;
	_ =	sdelay $0x1  }
0x22: {  	v2 =	vadd.s32 v1, v2;
	v1 =	vor.u32 s15, v0  }
0x23: {  	[tilespmem:s1+$0x3400] =	vst v2;
	v2 =	vmulhi.u32 $0x4EC4EC4F, v1  }
0x24: {  	s1 =	simm.s32 $0x0  }
0x25: {  	[tilespmem:s25], [sflag:$0x1] =	stream.indirect.gather [hbm4b:s3+s23], $0x10, s24, s23, $0xb8;
	v2 =	vshrl.u32 v2, $0x3;
	[tilespmem:$0x11100] =	vst v63  }
0x26: {  	v3 =	vmul.u32 $0x1A, v2;
	v2 =	vld [tilespmem:s1+$0x680]  }
0x27: {  	s0 =	simm.s32 $0x40;
	s4 =	sadd.s32 $0x10, s15  }
.LBB2_4:
0x28: {  	p0 =	sne.s32 s0, $0x19C0;
	v3 =	vsub.s32 v1, v3;
	v1 =	vor.u32 s4, v0;
	s5 =	smov.u32 s0;
	s0 =	sadd.s32 $0x40, s0  }
.Ltmp1:
0x29: {  	v4 =	vmulhi.u32 $0x4EC4EC4F, v1;
	v3 =	vmul.u32 $0x186A0, v3;
	(pc) =	sbr.rel @p0 .LBB2_4-.Ltmp1, $4  }
0x2a: {  	_ = 	snop  }
0x2b: {  	s5 =	sshra.s32 s5, $0x2;
	v4 =	vshrl.u32 v4, $0x3;
	v5 =	vadd.s32 v3, v2  }
0x2c: {  	v3 =	vmul.u32 $0x1A, v4;
	v2 =	vld [tilespmem:s5+$0x680];
	[tilespmem:s1+$0x3A80] =	vst v5;
	s1 =	smov.u32 s5  }
0x2d: {  	s4 =	sadd.s32 $0x10, s4  }
0x2e: {  	v1 =	vsub.s32 v1, v3  }
0x2f: {  	v1 =	vmul.u32 $0x186A0, v1;
	_ =	sdelay $0x1  }
0x30: {  	v1 =	vadd.s32 v1, v2  }
0x31: {  	[tilespmem:s1+$0x3A80] =	vst v1  }
0x32: {  	[tilespmem:s28], [sflag:$0x2] =	stream.indirect.gather [hbm4b:s3+s23], $0x10, s26, s23, $0xb8;
	[tilespmem:$0x11100] =	vst v63  }
0x33: {  	_ =	swait.ge [sflag:s29], $0x6800  }
0x34: {  	[sflag:s29] =	ssyncset.done $0x0  }
0x35: {  	s0 =	simm.s32 $0x0;
	s5 =	rddreg [dreg:$0x3];
	[sflag:s29] =	ssyncadd.s32 $0xFFFF9800  }
0x36: {  	v1 =	vor.u32 s16, v0;
	[hbm4b:s5+s0] =	stream.linear.scatter [tilespmem:s25], [sflag:$0x3], $0x6800, $0x38;
	[tilespmem:$0x11100] =	vst v63  }
0x37: {  	v2 =	vmulhi.u32 $0x4EC4EC4F, v1;
	_ =	swait.ge [sflag:s22], $0x6800  }
0x38: {  	[sflag:s22] =	ssyncset.done $0x0  }
0x39: {  	s1 =	simm.s32 $0x0;
	v2 =	vshrl.u32 v2, $0x3;
	[sflag:s22] =	ssyncadd.s32 $0xFFFF9800  }
0x3a: {  	v3 =	vmul.u32 $0x1A, v2;
	v2 =	vld [tilespmem:s1+$0xD00]  }
0x3b: {  	s4 =	sadd.s32 $0x10, s16;
	s0 =	simm.s32 $0x40  }
.LBB2_6:
0x3c: {  	p0 =	sne.s32 s0, $0x19C0;
	v3 =	vsub.s32 v1, v3;
	v1 =	vor.u32 s4, v0;
	s5 =	smov.u32 s0;
	s0 =	sadd.s32 $0x40, s0  }
.Ltmp2:
0x3d: {  	v4 =	vmulhi.u32 $0x4EC4EC4F, v1;
	v3 =	vmul.u32 $0x186A0, v3;
	(pc) =	sbr.rel @p0 .LBB2_6-.Ltmp2, $4  }
0x3e: {  	_ = 	snop  }
0x3f: {  	s5 =	sshra.s32 s5, $0x2;
	v4 =	vshrl.u32 v4, $0x3;
	v5 =	vadd.s32 v3, v2  }
0x40: {  	v3 =	vmul.u32 $0x1A, v4;
	v2 =	vld [tilespmem:s5+$0xD00];
	[tilespmem:s1+$0x3400] =	vst v5;
	s1 =	smov.u32 s5  }
0x41: {  	s4 =	sadd.s32 $0x10, s4  }
0x42: {  	v1 =	vsub.s32 v1, v3  }
0x43: {  	v1 =	vmul.u32 $0x186A0, v1;
	_ =	sdelay $0x1  }
0x44: {  	v1 =	vadd.s32 v1, v2  }
0x45: {  	[tilespmem:s1+$0x3400] =	vst v1  }
0x46: {  	[tilespmem:s25], [sflag:$0x1] =	stream.indirect.gather [hbm4b:s3+s23], $0x10, s24, s23, $0xb8;
	[tilespmem:$0x11100] =	vst v63  }
0x47: {  	_ =	swait.ge [sflag:s30], $0x6800  }
0x48: {  	[sflag:s30] =	ssyncset.done $0x0  }
0x49: {  	s0 =	simm.s32 $0x0;
	[sflag:s30] =	ssyncadd.s32 $0xFFFF9800  }
0x4a: {  	v1 =	vor.u32 s17, v0;
	[hbm4b:s6+s0] =	stream.linear.scatter [tilespmem:s28], [sflag:$0x3], $0x6800, $0x38;
	[tilespmem:$0x11100] =	vst v63  }
0x4b: {  	v2 =	vmulhi.u32 $0x4EC4EC4F, v1;
	_ =	swait.ge [sflag:s22], $0x6800  }
0x4c: {  	[sflag:s22] =	ssyncset.done $0x0  }
0x4d: {  	s1 =	simm.s32 $0x0;
	v2 =	vshrl.u32 v2, $0x3;
	[sflag:s22] =	ssyncadd.s32 $0xFFFF9800  }
0x4e: {  	v3 =	vmul.u32 $0x1A, v2;
	v2 =	vld [tilespmem:s1+$0x1380]  }
0x4f: {  	s4 =	sadd.s32 $0x10, s17;
	s0 =	simm.s32 $0x40  }
.LBB2_8:
0x50: {  	p0 =	sne.s32 s0, $0x19C0;
	v3 =	vsub.s32 v1, v3;
	v1 =	vor.u32 s4, v0;
	s5 =	smov.u32 s0;
	s0 =	sadd.s32 $0x40, s0  }
.Ltmp3:
0x51: {  	v4 =	vmulhi.u32 $0x4EC4EC4F, v1;
	v3 =	vmul.u32 $0x186A0, v3;
	(pc) =	sbr.rel @p0 .LBB2_8-.Ltmp3, $4  }
0x52: {  	_ = 	snop  }
0x53: {  	s5 =	sshra.s32 s5, $0x2;
	v4 =	vshrl.u32 v4, $0x3;
	v5 =	vadd.s32 v3, v2  }
0x54: {  	v3 =	vmul.u32 $0x1A, v4;
	v2 =	vld [tilespmem:s5+$0x1380];
	[tilespmem:s1+$0x3A80] =	vst v5;
	s1 =	smov.u32 s5  }
0x55: {  	s4 =	sadd.s32 $0x10, s4  }
0x56: {  	v1 =	vsub.s32 v1, v3  }
0x57: {  	v1 =	vmul.u32 $0x186A0, v1;
	_ =	sdelay $0x1  }
0x58: {  	v1 =	vadd.s32 v1, v2  }
0x59: {  	[tilespmem:s1+$0x3A80] =	vst v1  }
0x5a: {  	[tilespmem:s28], [sflag:$0x2] =	stream.indirect.gather [hbm4b:s3+s23], $0x10, s26, s23, $0xb8;
	[tilespmem:$0x11100] =	vst v63  }
0x5b: {  	_ =	swait.ge [sflag:s29], $0x6800  }
0x5c: {  	[sflag:s29] =	ssyncset.done $0x0  }
0x5d: {  	s0 =	simm.s32 $0x0;
	[sflag:s29] =	ssyncadd.s32 $0xFFFF9800  }
0x5e: {  	v1 =	vor.u32 s18, v0;
	[hbm4b:s7+s0] =	stream.linear.scatter [tilespmem:s25], [sflag:$0x3], $0x6800, $0x38;
	[tilespmem:$0x11100] =	vst v63  }
0x5f: {  	v2 =	vmulhi.u32 $0x4EC4EC4F, v1;
	_ =	swait.ge [sflag:s22], $0x6800  }
0x60: {  	[sflag:s22] =	ssyncset.done $0x0  }
0x61: {  	s1 =	simm.s32 $0x0;
	v2 =	vshrl.u32 v2, $0x3;
	[sflag:s22] =	ssyncadd.s32 $0xFFFF9800  }
0x62: {  	v3 =	vmul.u32 $0x1A, v2;
	v2 =	vld [tilespmem:s1+$0x1A00]  }
0x63: {  	s4 =	sadd.s32 $0x10, s18;
	s0 =	simm.s32 $0x40  }
.LBB2_10:
0x64: {  	p0 =	sne.s32 s0, $0x19C0;
	v3 =	vsub.s32 v1, v3;
	v1 =	vor.u32 s4, v0;
	s5 =	smov.u32 s0;
	s0 =	sadd.s32 $0x40, s0  }
.Ltmp4:
0x65: {  	v4 =	vmulhi.u32 $0x4EC4EC4F, v1;
	v3 =	vmul.u32 $0x186A0, v3;
	(pc) =	sbr.rel @p0 .LBB2_10-.Ltmp4, $4  }
0x66: {  	_ = 	snop  }
0x67: {  	s5 =	sshra.s32 s5, $0x2;
	v4 =	vshrl.u32 v4, $0x3;
	v5 =	vadd.s32 v3, v2  }
0x68: {  	v3 =	vmul.u32 $0x1A, v4;
	v2 =	vld [tilespmem:s5+$0x1A00];
	[tilespmem:s1+$0x3400] =	vst v5;
	s1 =	smov.u32 s5  }
0x69: {  	s4 =	sadd.s32 $0x10, s4  }
0x6a: {  	v1 =	vsub.s32 v1, v3  }
0x6b: {  	v1 =	vmul.u32 $0x186A0, v1;
	_ =	sdelay $0x1  }
0x6c: {  	v1 =	vadd.s32 v1, v2  }
0x6d: {  	[tilespmem:s1+$0x3400] =	vst v1  }
0x6e: {  	[tilespmem:s25], [sflag:$0x1] =	stream.indirect.gather [hbm4b:s3+s23], $0x10, s24, s23, $0xb8;
	[tilespmem:$0x11100] =	vst v63  }
0x6f: {  	_ =	swait.ge [sflag:s30], $0x6800  }
0x70: {  	[sflag:s30] =	ssyncset.done $0x0  }
0x71: {  	s0 =	simm.s32 $0x0;
	[sflag:s30] =	ssyncadd.s32 $0xFFFF9800  }
0x72: {  	v1 =	vor.u32 s19, v0;
	[hbm4b:s8+s0] =	stream.linear.scatter [tilespmem:s28], [sflag:$0x3], $0x6800, $0x38;
	[tilespmem:$0x11100] =	vst v63  }
0x73: {  	v2 =	vmulhi.u32 $0x4EC4EC4F, v1;
	_ =	swait.ge [sflag:s22], $0x6800  }
0x74: {  	[sflag:s22] =	ssyncset.done $0x0  }
0x75: {  	s1 =	simm.s32 $0x0;
	v2 =	vshrl.u32 v2, $0x3;
	[sflag:s22] =	ssyncadd.s32 $0xFFFF9800  }
0x76: {  	v3 =	vmul.u32 $0x1A, v2;
	v2 =	vld [tilespmem:s1+$0x2080]  }
0x77: {  	s4 =	sadd.s32 $0x10, s19;
	s0 =	simm.s32 $0x40  }
.LBB2_12:
0x78: {  	p0 =	sne.s32 s0, $0x19C0;
	v3 =	vsub.s32 v1, v3;
	v1 =	vor.u32 s4, v0;
	s5 =	smov.u32 s0;
	s0 =	sadd.s32 $0x40, s0  }
.Ltmp5:
0x79: {  	v4 =	vmulhi.u32 $0x4EC4EC4F, v1;
	v3 =	vmul.u32 $0x186A0, v3;
	(pc) =	sbr.rel @p0 .LBB2_12-.Ltmp5, $4  }
0x7a: {  	_ = 	snop  }
0x7b: {  	s5 =	sshra.s32 s5, $0x2;
	v4 =	vshrl.u32 v4, $0x3;
	v5 =	vadd.s32 v3, v2  }
0x7c: {  	v3 =	vmul.u32 $0x1A, v4;
	v2 =	vld [tilespmem:s5+$0x2080];
	[tilespmem:s1+$0x3A80] =	vst v5;
	s1 =	smov.u32 s5  }
0x7d: {  	s4 =	sadd.s32 $0x10, s4  }
0x7e: {  	v1 =	vsub.s32 v1, v3  }
0x7f: {  	v1 =	vmul.u32 $0x186A0, v1;
	_ =	sdelay $0x1  }
0x80: {  	v1 =	vadd.s32 v1, v2  }
0x81: {  	[tilespmem:s1+$0x3A80] =	vst v1  }
0x82: {  	[tilespmem:s28], [sflag:$0x2] =	stream.indirect.gather [hbm4b:s3+s23], $0x10, s26, s23, $0xb8;
	[tilespmem:$0x11100] =	vst v63  }
0x83: {  	_ =	swait.ge [sflag:s29], $0x6800  }
0x84: {  	[sflag:s29] =	ssyncset.done $0x0  }
0x85: {  	s0 =	simm.s32 $0x0;
	[sflag:s29] =	ssyncadd.s32 $0xFFFF9800  }
0x86: {  	v1 =	vor.u32 s20, v0;
	[hbm4b:s9+s0] =	stream.linear.scatter [tilespmem:s25], [sflag:$0x3], $0x6800, $0x38;
	[tilespmem:$0x11100] =	vst v63  }
0x87: {  	v2 =	vmulhi.u32 $0x4EC4EC4F, v1;
	_ =	swait.ge [sflag:s22], $0x6800  }
0x88: {  	[sflag:s22] =	ssyncset.done $0x0  }
0x89: {  	s1 =	simm.s32 $0x0;
	v2 =	vshrl.u32 v2, $0x3;
	[sflag:s22] =	ssyncadd.s32 $0xFFFF9800  }
0x8a: {  	v3 =	vmul.u32 $0x1A, v2;
	v2 =	vld [tilespmem:s1+$0x2700]  }
0x8b: {  	s4 =	sadd.s32 $0x10, s20;
	s0 =	simm.s32 $0x40  }
.LBB2_14:
0x8c: {  	p0 =	sne.s32 s0, $0x19C0;
	v3 =	vsub.s32 v1, v3;
	v1 =	vor.u32 s4, v0;
	s5 =	smov.u32 s0;
	s0 =	sadd.s32 $0x40, s0  }
.Ltmp6:
0x8d: {  	v4 =	vmulhi.u32 $0x4EC4EC4F, v1;
	v3 =	vmul.u32 $0x186A0, v3;
	(pc) =	sbr.rel @p0 .LBB2_14-.Ltmp6, $4  }
0x8e: {  	_ = 	snop  }
0x8f: {  	s5 =	sshra.s32 s5, $0x2;
	v4 =	vshrl.u32 v4, $0x3;
	v5 =	vadd.s32 v3, v2  }
0x90: {  	v3 =	vmul.u32 $0x1A, v4;
	v2 =	vld [tilespmem:s5+$0x2700];
	[tilespmem:s1+$0x3400] =	vst v5;
	s1 =	smov.u32 s5  }
0x91: {  	s4 =	sadd.s32 $0x10, s4  }
0x92: {  	v1 =	vsub.s32 v1, v3  }
0x93: {  	v1 =	vmul.u32 $0x186A0, v1;
	_ =	sdelay $0x1  }
0x94: {  	v1 =	vadd.s32 v1, v2  }
0x95: {  	[tilespmem:s1+$0x3400] =	vst v1  }
0x96: {  	[tilespmem:s25], [sflag:$0x1] =	stream.indirect.gather [hbm4b:s3+s23], $0x10, s24, s23, $0xb8;
	[tilespmem:$0x11100] =	vst v63  }
0x97: {  	_ =	swait.ge [sflag:s30], $0x6800  }
0x98: {  	[sflag:s30] =	ssyncset.done $0x0  }
0x99: {  	s0 =	simm.s32 $0x0;
	[sflag:s30] =	ssyncadd.s32 $0xFFFF9800  }
0x9a: {  	v1 =	vor.u32 s21, v0;
	[hbm4b:s10+s0] =	stream.linear.scatter [tilespmem:s28], [sflag:$0x3], $0x6800, $0x38;
	[tilespmem:$0x11100] =	vst v63  }
0x9b: {  	v2 =	vmulhi.u32 $0x4EC4EC4F, v1;
	_ =	swait.ge [sflag:s22], $0x6800  }
0x9c: {  	[sflag:s22] =	ssyncset.done $0x0  }
0x9d: {  	s1 =	simm.s32 $0x0;
	v2 =	vshrl.u32 v2, $0x3;
	[sflag:s22] =	ssyncadd.s32 $0xFFFF9800  }
0x9e: {  	v3 =	vmul.u32 $0x1A, v2;
	v2 =	vld [tilespmem:s1+$0x2D80]  }
0x9f: {  	s4 =	sadd.s32 $0x10, s21;
	s0 =	simm.s32 $0x40  }
.LBB2_16:
0xa0: {  	p0 =	sne.s32 s0, $0x19C0;
	v3 =	vsub.s32 v1, v3;
	v1 =	vor.u32 s4, v0;
	s5 =	smov.u32 s0;
	s0 =	sadd.s32 $0x40, s0  }
.Ltmp7:
0xa1: {  	v4 =	vmulhi.u32 $0x4EC4EC4F, v1;
	v3 =	vmul.u32 $0x186A0, v3;
	(pc) =	sbr.rel @p0 .LBB2_16-.Ltmp7, $4  }
0xa2: {  	_ = 	snop  }
0xa3: {  	s5 =	sshra.s32 s5, $0x2;
	v4 =	vshrl.u32 v4, $0x3;
	v5 =	vadd.s32 v3, v2  }
0xa4: {  	v3 =	vmul.u32 $0x1A, v4;
	v2 =	vld [tilespmem:s5+$0x2D80];
	[tilespmem:s1+$0x3A80] =	vst v5;
	s1 =	smov.u32 s5  }
0xa5: {  	s4 =	sadd.s32 $0x10, s4  }
0xa6: {  	v1 =	vsub.s32 v1, v3  }
0xa7: {  	v1 =	vmul.u32 $0x186A0, v1;
	_ =	sdelay $0x1  }
0xa8: {  	v1 =	vadd.s32 v1, v2  }
0xa9: {  	[tilespmem:s1+$0x3A80] =	vst v1  }
0xaa: {  	[tilespmem:s28], [sflag:$0x2] =	stream.indirect.gather [hbm4b:s3+s23], $0x10, s26, s23, $0xb8;
	[tilespmem:$0x11100] =	vst v63  }
0xab: {  	_ =	swait.ge [sflag:s29], $0x6800  }
0xac: {  	[sflag:s29] =	ssyncset.done $0x0  }
0xad: {  	[sflag:s29] =	ssyncadd.s32 $0xFFFF9800  }
0xae: {  	[hbm4b:s11+s2] =	stream.linear.scatter [tilespmem:s25], [sflag:$0x3], $0x6800, $0x38;
	[tilespmem:$0x11100] =	vst v63  }
0xaf: {  	_ =	swait.ge [sflag:s22], $0x6800  }
0xb0: {  	[sflag:s22] =	ssyncset.done $0x0  }
0xb1: {  	[sflag:s22] =	ssyncadd.s32 $0xFFFF9800  }
0xb2: {  	s31 =	sadd.s32 $0x1, s31;
	_ =	swait.ge [sflag:s30], $0x6800  }
0xb3: {  	p0 =	sne.s32 s31, s14;
	[sflag:s30] =	ssyncset.done $0x0  }
.Ltmp8:
0xb4: {  	[sflag:s30] =	ssyncadd.s32 $0xFFFF9800;
	(pc) =	sbr.rel @p0 .LBB2_1-.Ltmp8, $4  }
0xb5: {  	[hbm4b:s13+s2] =	stream.linear.scatter [tilespmem:s28], [sflag:$0x3], $0x6800, $0x38;
	[tilespmem:$0x11100] =	vst v63  }
0xb6: {  	_ =	swait.ge [sflag:s22], $0x6800  }
0xb7: {  	[sflag:s22] =	ssyncset.done $0x0  }
0xb8: {  	[sflag:s22] =	ssyncadd.s32 $0xFFFF9800  }
0xb9: {  	_ =	sfence.sel $0x180000  }
0xba: {  	[bflag:$0x0] =	sbarrier.arrive $0xFFFF  }
0xbb: {  	_ =	strace $0x90000047  }
0xbc: {  	s0 =	stileid.u32;
	[bflag:$0x2] =	sbarrier.arrive $0xFFFF  }
0xbd: {  	p0 =	sne.s32 s0, $0x0;
	s0 =	rddreg [dreg:$0x1]  }
0xbe: {  	s0 =	sadd.s32 @!p0 $0x100000, s0  }
0xbf: {  	[sflag:s0] =	ssyncadd.tile.s32 @!p0 $0x1;
	_ =	shalt  }
.Lfunc_end2:
_tile_overlayer_lowered:
.L_overlay_start_2:
0xc0: {  	(tag) =	ssettag $0x2  }
0xc1: {  	s0 =	rddreg [dreg:$0x0];
	s2 =	stileid.u32  }
0xc2: {  	s1 =	rddreg [dreg:$0x1];
	p0 =	sne.s32 s2, $0x0  }
0xc3: {  	s3 =	rddreg [dreg:$0x2];
	[bflag:$0x3] =	sbarrier.arrive $0xFFFF;
	s2 =	simm.s32 @!p0 $0x1C03  }
0xc4: {  	[timem:s3], [sflag:s2] =	dma.local @!p0 [hbm:s0], s1  }
0xc5: {  	s0 =	simm.s32 @!p0 $0x3  }
0xc6: {  	_ =	swait.ge @!p0 [sflag:s0], s1  }
0xc7: {  	s1 =	ssub.s32 @!p0 $0x0, s1;
	[sflag:s0] =	ssyncset.done @!p0 $0x0  }
0xc8: {  	[sflag:s0] =	ssyncadd.s32 @!p0 s1  }
0xc9: {  	[bflag:$0x3] =	sbarrier.arrive $0xFFFF  }
0xca: {  	_ =	shalt  }

</sc_bundles>
